<compile_context>
chip_gen: v7x
topology: tpu7x:2x2x1
jax: 0.10.2.dev20260603
libtpu: 0.0.44.dev20260713+nightly
codegen_flags: <defaults>
</compile_context>

<pallas_src>
import functools

import jax
import jax.numpy as jnp
from jax import lax
from jax.experimental import pallas as pl
from jax.experimental.pallas import tpu as pltpu
from jax.experimental.pallas import tpu_sc as plsc

_C = 21


def _argmax_idx_body(x_ref, y_ref, o_ref):
    m = x_ref[0, 0]
    for c in range(1, _C):
        m = jnp.maximum(m, x_ref[0, c])
    a = jnp.where(x_ref[0, 0] == m, 0.0, float(_C))
    for c in range(1, _C):
        a = jnp.minimum(a, jnp.where(x_ref[0, c] == m, float(c), float(_C)))
    idx = y_ref[0] * _C + a.astype(jnp.int32)
    half = idx.shape[0] // 2
    o_ref[0] = idx[:half] | (idx[half:] << 16)


def _cost_index(inp, y):
    b, c, h, w = inp.shape
    hb = 256
    return pl.pallas_call(
        _argmax_idx_body,
        grid=(b, h // hb),
        in_specs=[
            pl.BlockSpec((1, c, hb, w), lambda i, j: (i, 0, j, 0)),
            pl.BlockSpec((1, hb, w), lambda i, j: (i, j, 0)),
        ],
        out_specs=pl.BlockSpec((1, hb // 2, w), lambda i, j: (i, j, 0)),
        out_shape=jax.ShapeDtypeStruct((b, h // 2, w), jnp.int32),
    )(inp, y)


def _make_sc_reduce(n):
    info = plsc.get_sparse_core_info()
    nc, ns, lanes = info.num_cores, info.num_subcores, info.num_lanes
    nw = nc * ns
    per_w = n // nw
    mesh = plsc.VectorSubcoreMesh(core_axis_name="c", subcore_axis_name="s")

    per_w32 = per_w // 2
    nch = 4
    ch = per_w32 // nch

    @functools.partial(
        pl.kernel,
        mesh=mesh,
        compiler_params=pltpu.CompilerParams(needs_layout_passes=False),
        out_type=jax.ShapeDtypeStruct((nw * lanes,), jnp.float32),
        scratch_types=[
            pltpu.VMEM((2, ch), jnp.int32),
            pltpu.VMEM((_C * _C,), jnp.float32),
            pltpu.VMEM((lanes,), jnp.float32),
            pltpu.SemaphoreType.DMA,
            pltpu.SemaphoreType.DMA,
        ],
    )
    def sc_reduce(idx_hbm, tbl_hbm, out_hbm, idx_v, tbl_v, acc_v, s0, s1):
        wid = lax.axis_index("s") * nc + lax.axis_index("c")
        base = wid * per_w32
        sems = (s0, s1)
        handles = [None, None]
        handles[0] = pltpu.async_copy(
            idx_hbm.at[pl.ds(base, ch)], idx_v.at[0], sems[0])
        pltpu.sync_copy(tbl_hbm, tbl_v)

        unroll = 4

        def chunk_body(buf):
            def body(j, accs):
                jb = j * (unroll * lanes)
                out = []
                for u in range(unroll):
                    packed = idx_v[buf, pl.ds(jb + u * lanes, lanes)]
                    lo = packed & 0xFFFF
                    hi = lax.shift_right_logical(packed, 16)
                    out.append(accs[2 * u] + plsc.load_gather(tbl_v, [lo]))
                    out.append(accs[2 * u + 1] + plsc.load_gather(tbl_v, [hi]))
                return tuple(out)
            return body

        z = jnp.zeros((lanes,), jnp.float32)
        accs = (z,) * (2 * unroll)
        for k in range(nch):
            if k + 1 < nch:
                handles[(k + 1) % 2] = pltpu.async_copy(
                    idx_hbm.at[pl.ds(base + (k + 1) * ch, ch)],
                    idx_v.at[(k + 1) % 2], sems[(k + 1) % 2])
            handles[k % 2].wait()
            accs = lax.fori_loop(0, ch // (unroll * lanes),
                                 chunk_body(k % 2), accs)
        acc_v[...] = ((accs[0] + accs[1]) + (accs[2] + accs[3])) + ((accs[4] + accs[5]) + (accs[6] + accs[7]))
        pltpu.sync_copy(acc_v, out_hbm.at[pl.ds(wid * lanes, lanes)])

    return sc_reduce


def kernel(input, y_true, D):
    b, c, h, w = input.shape
    n = b * h * w
    idx32 = _cost_index(input, y_true).reshape(n // 2)
    partials = _make_sc_reduce(n)(idx32, D.reshape(c * c))
    return jnp.sum(partials) / n

# --- scband reference (transcript-rebuilt; emitter-appended) ---
"""Pipeline reference for scband-average-cost-38259568672969 (READ-ONLY COPY).

The authoritative reference and input builder live on the scoring server;
editing this copy changes nothing except your own understanding.
"""

import jax, jax.numpy as jnp
import numpy as np

N_CLASSES = 21

def setup_inputs(seed: int = 0):
    key = jax.random.key(seed)
    k1, k2 = jax.random.split(key)
    inp = jax.random.normal(k1, (4, N_CLASSES, 512, 512), dtype=jnp.float32)
    y_true = jax.random.randint(k2, (4, 512, 512), 0, N_CLASSES, dtype=jnp.int32)
    idx = jnp.arange(N_CLASSES)
    D = jnp.abs(idx[:, None] - idx[None, :]).astype(jnp.float32)
    return {"input": inp, "y_true": y_true, "D": D}

def reference(input, y_true, D):
    # Faithful translation of AverageCost.forward (ignore_index=None branch)
    b, c, h, w = input.shape
    x = jnp.transpose(input.reshape(b, c, h * w), (0, 2, 1)).reshape(b * h * w, c)
    y = y_true.reshape(b * h * w).astype(jnp.int32)
    out = jax.nn.softmax(x, axis=-1)
    n = out.shape[0]
    # scatter-overwrite of ones at argmax positions (one-hot of hard predictions)
    onehot = jnp.zeros(out.shape, dtype=out.dtype).at[jnp.arange(n), jnp.argmax(out, axis=1)].set(1.0)
    # gather cost-matrix rows by true label
    Dists = jnp.take(D, y, axis=0)
    return jnp.mean(jnp.sum(Dists * onehot, axis=-1))

if __name__ == "__main__":
    import jax
    _d = setup_inputs()
    print(jax.jit(kernel)(*tuple(_d.values())))

</pallas_src>

<mosaic_0001>
#map = affine_map<(d0, d1) -> (0)>
module attributes {stable_mosaic.version = 14 : i64} {
  func.func @sc_reduce(%arg0: i32, %arg1: i32, %arg2: memref<524288xi32, #tpu.memory_space<hbm>>, %arg3: memref<441xf32, #tpu.memory_space<hbm>>, %arg4: memref<512xf32, #tpu.memory_space<hbm>>, %arg5: memref<2x4096xi32, #tpu.memory_space<vmem>>, %arg6: memref<441xf32, #tpu.memory_space<vmem>>, %arg7: memref<16xf32, #tpu.memory_space<vmem>>, %arg8: memref<!tpu.dma_semaphore, #tpu.memory_space<semaphore_mem>>, %arg9: memref<!tpu.dma_semaphore, #tpu.memory_space<semaphore_mem>>) attributes {dimension_semantics = [#tpu.dimension_semantics<core_parallel>, #tpu.dimension_semantics<subcore_parallel>], iteration_bounds = array<i64: 2, 16>, scalar_prefetch = 0 : i64, scratch_operands = 5 : i64, tpu.core_type = #tpu.core_type<sc_vector_subcore>, window_params = [{transform_indices = #map}, {transform_indices = #map}, {transform_indices = #map}]} {
    %mul3A = arith.constant 2 : i32
    %mul3A_0 = arith.muli %arg1, %mul3A : i32
    %add3A = arith.addi %mul3A_0, %arg0 : i32
    %mul3A_1 = arith.constant 16384 : i32
    %mul3A_2 = arith.muli %add3A, %mul3A_1 : i32
    %dma_start3A = arith.constant 0 : i32
    %dma_start3A_3 = arith.constant 0 : i32
    %dma_start3A_4 = tpu.memref_slice %arg5[%dma_start3A, %dma_start3A_3] : memref<2x4096xi32, #tpu.memory_space<vmem>> -> memref<1x4096xi32, #tpu.memory_space<vmem>>
    %dma_start3A_5 = tpu.memref_squeeze %dma_start3A_4 : memref<1x4096xi32, #tpu.memory_space<vmem>> -> memref<4096xi32, #tpu.memory_space<vmem>>
    %dma_start3A_6 = tpu.memref_slice %arg2[%mul3A_2] : memref<524288xi32, #tpu.memory_space<hbm>> -> memref<4096xi32, #tpu.memory_space<hbm>>
    %dma_start3A_7 = arith.constant 0 : i32
    %dma_start3A_8 = tpu.memref_slice %arg5[%dma_start3A, %dma_start3A_7] : memref<2x4096xi32, #tpu.memory_space<vmem>> -> memref<1x4096xi32, #tpu.memory_space<vmem>>
    %dma_start3A_9 = tpu.memref_squeeze %dma_start3A_8 : memref<1x4096xi32, #tpu.memory_space<vmem>> -> memref<4096xi32, #tpu.memory_space<vmem>>
    %dma_start3A_10 = tpu.memref_slice %arg2[%mul3A_2] : memref<524288xi32, #tpu.memory_space<hbm>> -> memref<4096xi32, #tpu.memory_space<hbm>>
    tpu.enqueue_dma source(%dma_start3A_10 : memref<4096xi32, #tpu.memory_space<hbm>>) target(%dma_start3A_9 : memref<4096xi32, #tpu.memory_space<vmem>>) target_semaphore(%arg8 : memref<!tpu.dma_semaphore, #tpu.memory_space<semaphore_mem>>)
    "tpu.region"() ({
      %run_scoped3A = tpu.sem_alloc : memref<!tpu.dma_semaphore, #tpu.memory_space<semaphore_mem>>
      tpu.enqueue_dma source(%arg3 : memref<441xf32, #tpu.memory_space<hbm>>) target(%arg6 : memref<441xf32, #tpu.memory_space<vmem>>) target_semaphore(%run_scoped3A : memref<!tpu.dma_semaphore, #tpu.memory_space<semaphore_mem>>)
      tpu.wait_dma2 semaphore(%run_scoped3A : memref<!tpu.dma_semaphore, #tpu.memory_space<semaphore_mem>>) src(%arg3 : memref<441xf32, #tpu.memory_space<hbm>>) dst(%arg6 : memref<441xf32, #tpu.memory_space<vmem>>)
      tpu.yield
    }) : () -> ()
    %broadcast_in_dim3A = arith.constant 0.000000e+00 : f32
    %broadcast_in_dim3A_11 = vector.broadcast %broadcast_in_dim3A : f32 to vector<16xf32>
    %add3A_12 = arith.constant 4096 : i32
    %add3A_13 = arith.addi %mul3A_2, %add3A_12 : i32
    %dma_start3A_14 = arith.constant 1 : i32
    %dma_start3A_15 = arith.constant 0 : i32
    %dma_start3A_16 = tpu.memref_slice %arg5[%dma_start3A_14, %dma_start3A_15] : memref<2x4096xi32, #tpu.memory_space<vmem>> -> memref<1x4096xi32, #tpu.memory_space<vmem>>
    %dma_start3A_17 = tpu.memref_squeeze %dma_start3A_16 : memref<1x4096xi32, #tpu.memory_space<vmem>> -> memref<4096xi32, #tpu.memory_space<vmem>>
    %dma_start3A_18 = tpu.memref_slice %arg2[%add3A_13] : memref<524288xi32, #tpu.memory_space<hbm>> -> memref<4096xi32, #tpu.memory_space<hbm>>
    %dma_start3A_19 = arith.constant 0 : i32
    %dma_start3A_20 = tpu.memref_slice %arg5[%dma_start3A_14, %dma_start3A_19] : memref<2x4096xi32, #tpu.memory_space<vmem>> -> memref<1x4096xi32, #tpu.memory_space<vmem>>
    %dma_start3A_21 = tpu.memref_squeeze %dma_start3A_20 : memref<1x4096xi32, #tpu.memory_space<vmem>> -> memref<4096xi32, #tpu.memory_space<vmem>>
    %dma_start3A_22 = tpu.memref_slice %arg2[%add3A_13] : memref<524288xi32, #tpu.memory_space<hbm>> -> memref<4096xi32, #tpu.memory_space<hbm>>
    tpu.enqueue_dma source(%dma_start3A_22 : memref<4096xi32, #tpu.memory_space<hbm>>) target(%dma_start3A_21 : memref<4096xi32, #tpu.memory_space<vmem>>) target_semaphore(%arg9 : memref<!tpu.dma_semaphore, #tpu.memory_space<semaphore_mem>>)
    %dma_wait3A = arith.constant 0 : i32
    %dma_wait3A_23 = arith.constant 0 : i32
    %dma_wait3A_24 = tpu.memref_slice %arg5[%dma_wait3A, %dma_wait3A_23] : memref<2x4096xi32, #tpu.memory_space<vmem>> -> memref<1x4096xi32, #tpu.memory_space<vmem>>
    %dma_wait3A_25 = tpu.memref_squeeze %dma_wait3A_24 : memref<1x4096xi32, #tpu.memory_space<vmem>> -> memref<4096xi32, #tpu.memory_space<vmem>>
    %dma_wait3A_26 = tpu.memref_slice %arg2[%mul3A_2] : memref<524288xi32, #tpu.memory_space<hbm>> -> memref<4096xi32, #tpu.memory_space<hbm>>
    %dma_wait3A_27 = arith.constant 0 : i32
    %dma_wait3A_28 = tpu.memref_slice %arg5[%dma_wait3A, %dma_wait3A_27] : memref<2x4096xi32, #tpu.memory_space<vmem>> -> memref<1x4096xi32, #tpu.memory_space<vmem>>
    %dma_wait3A_29 = tpu.memref_squeeze %dma_wait3A_28 : memref<1x4096xi32, #tpu.memory_space<vmem>> -> memref<4096xi32, #tpu.memory_space<vmem>>
    %dma_wait3A_30 = tpu.memref_slice %arg2[%mul3A_2] : memref<524288xi32, #tpu.memory_space<hbm>> -> memref<4096xi32, #tpu.memory_space<hbm>>
    tpu.wait_dma2 semaphore(%arg8 : memref<!tpu.dma_semaphore, #tpu.memory_space<semaphore_mem>>) src(%dma_wait3A_30 : memref<4096xi32, #tpu.memory_space<hbm>>) dst(%dma_wait3A_29 : memref<4096xi32, #tpu.memory_space<vmem>>)
    %scan3A = arith.constant 0 : i32
    %scan3A_31 = arith.constant 64 : i32
    %scan3A_32 = arith.addi %scan3A, %scan3A_31 : i32
    %scan3A_33 = arith.constant 1 : i32
    %scan3A_34:8 = scf.for %scan3A_113 = %scan3A to %scan3A_32 step %scan3A_33 iter_args(%scan3A_114 = %broadcast_in_dim3A_11, %scan3A_115 = %broadcast_in_dim3A_11, %scan3A_116 = %broadcast_in_dim3A_11, %scan3A_117 = %broadcast_in_dim3A_11, %scan3A_118 = %broadcast_in_dim3A_11, %scan3A_119 = %broadcast_in_dim3A_11, %scan3A_120 = %broadcast_in_dim3A_11, %scan3A_121 = %broadcast_in_dim3A_11) -> (vector<16xf32>, vector<16xf32>, vector<16xf32>, vector<16xf32>, vector<16xf32>, vector<16xf32>, vector<16xf32>, vector<16xf32>)  : i32 {
      %mul3A_122 = arith.constant 64 : i32
      %mul3A_123 = arith.muli %scan3A_113, %mul3A_122 : i32
      %add3A_124 = arith.constant 0 : i32
      %add3A_125 = arith.addi %mul3A_123, %add3A_124 : i32
      %get3A = arith.constant 0 : i32
      %get3A_126 = arith.index_cast %get3A : i32 to index
      %get3A_127 = arith.index_cast %add3A_125 : i32 to index
      %get3A_128 = tpu.vector_load %arg5[%get3A_126, %get3A_127] {strides = array<i32>} : memref<2x4096xi32, #tpu.memory_space<vmem>>, vector<16xi32>,
      %and3A = arith.constant 65535 : i32
      %and3A_129 = vector.broadcast %and3A : i32 to vector<16xi32>
      %and3A_130 = arith.andi %get3A_128, %and3A_129 : vector<16xi32>
      %shift_right_logical3A = arith.constant 16 : i32
      %shift_right_logical3A_131 = vector.broadcast %shift_right_logical3A : i32 to vector<16xi32>
      %shift_right_logical3A_132 = arith.shrui %get3A_128, %shift_right_logical3A_131 : vector<16xi32>
      %gather3A = tpu.vector_load_idx %arg6[%and3A_130] : memref<441xf32, #tpu.memory_space<vmem>>[vector<16xi32>], vector<16xf32>,
      %add3A_133 = arith.addf %scan3A_114, %gather3A : vector<16xf32>
      %gather3A_134 = tpu.vector_load_idx %arg6[%shift_right_logical3A_132] : memref<441xf32, #tpu.memory_space<vmem>>[vector<16xi32>], vector<16xf32>,
      %add3A_135 = arith.addf %scan3A_115, %gather3A_134 : vector<16xf32>
      %add3A_136 = arith.constant 16 : i32
      %add3A_137 = arith.addi %mul3A_123, %add3A_136 : i32
      %get3A_138 = arith.constant 0 : i32
      %get3A_139 = arith.index_cast %get3A_138 : i32 to index
      %get3A_140 = arith.index_cast %add3A_137 : i32 to index
      %get3A_141 = tpu.vector_load %arg5[%get3A_139, %get3A_140] {strides = array<i32>} : memref<2x4096xi32, #tpu.memory_space<vmem>>, vector<16xi32>,
      %and3A_142 = arith.constant 65535 : i32
      %and3A_143 = vector.broadcast %and3A_142 : i32 to vector<16xi32>
      %and3A_144 = arith.andi %get3A_141, %and3A_143 : vector<16xi32>
      %shift_right_logical3A_145 = arith.constant 16 : i32
      %shift_right_logical3A_146 = vector.broadcast %shift_right_logical3A_145 : i32 to vector<16xi32>
      %shift_right_logical3A_147 = arith.shrui %get3A_141, %shift_right_logical3A_146 : vector<16xi32>
      %gather3A_148 = tpu.vector_load_idx %arg6[%and3A_144] : memref<441xf32, #tpu.memory_space<vmem>>[vector<16xi32>], vector<16xf32>,
      %add3A_149 = arith.addf %scan3A_116, %gather3A_148 : vector<16xf32>
      %gather3A_150 = tpu.vector_load_idx %arg6[%shift_right_logical3A_147] : memref<441xf32, #tpu.memory_space<vmem>>[vector<16xi32>], vector<16xf32>,
      %add3A_151 = arith.addf %scan3A_117, %gather3A_150 : vector<16xf32>
      %add3A_152 = arith.constant 32 : i32
      %add3A_153 = arith.addi %mul3A_123, %add3A_152 : i32
      %get3A_154 = arith.constant 0 : i32
      %get3A_155 = arith.index_cast %get3A_154 : i32 to index
      %get3A_156 = arith.index_cast %add3A_153 : i32 to index
      %get3A_157 = tpu.vector_load %arg5[%get3A_155, %get3A_156] {strides = array<i32>} : memref<2x4096xi32, #tpu.memory_space<vmem>>, vector<16xi32>,
      %and3A_158 = arith.constant 65535 : i32
      %and3A_159 = vector.broadcast %and3A_158 : i32 to vector<16xi32>
      %and3A_160 = arith.andi %get3A_157, %and3A_159 : vector<16xi32>
      %shift_right_logical3A_161 = arith.constant 16 : i32
      %shift_right_logical3A_162 = vector.broadcast %shift_right_logical3A_161 : i32 to vector<16xi32>
      %shift_right_logical3A_163 = arith.shrui %get3A_157, %shift_right_logical3A_162 : vector<16xi32>
      %gather3A_164 = tpu.vector_load_idx %arg6[%and3A_160] : memref<441xf32, #tpu.memory_space<vmem>>[vector<16xi32>], vector<16xf32>,
      %add3A_165 = arith.addf %scan3A_118, %gather3A_164 : vector<16xf32>
      %gather3A_166 = tpu.vector_load_idx %arg6[%shift_right_logical3A_163] : memref<441xf32, #tpu.memory_space<vmem>>[vector<16xi32>], vector<16xf32>,
      %add3A_167 = arith.addf %scan3A_119, %gather3A_166 : vector<16xf32>
      %add3A_168 = arith.constant 48 : i32
      %add3A_169 = arith.addi %mul3A_123, %add3A_168 : i32
      %get3A_170 = arith.constant 0 : i32
      %get3A_171 = arith.index_cast %get3A_170 : i32 to index
      %get3A_172 = arith.index_cast %add3A_169 : i32 to index
      %get3A_173 = tpu.vector_load %arg5[%get3A_171, %get3A_172] {strides = array<i32>} : memref<2x4096xi32, #tpu.memory_space<vmem>>, vector<16xi32>,
      %and3A_174 = arith.constant 65535 : i32
      %and3A_175 = vector.broadcast %and3A_174 : i32 to vector<16xi32>
      %and3A_176 = arith.andi %get3A_173, %and3A_175 : vector<16xi32>
      %shift_right_logical3A_177 = arith.constant 16 : i32
      %shift_right_logical3A_178 = vector.broadcast %shift_right_logical3A_177 : i32 to vector<16xi32>
      %shift_right_logical3A_179 = arith.shrui %get3A_173, %shift_right_logical3A_178 : vector<16xi32>
      %gather3A_180 = tpu.vector_load_idx %arg6[%and3A_176] : memref<441xf32, #tpu.memory_space<vmem>>[vector<16xi32>], vector<16xf32>,
      %add3A_181 = arith.addf %scan3A_120, %gather3A_180 : vector<16xf32>
      %gather3A_182 = tpu.vector_load_idx %arg6[%shift_right_logical3A_179] : memref<441xf32, #tpu.memory_space<vmem>>[vector<16xi32>], vector<16xf32>,
      %add3A_183 = arith.addf %scan3A_121, %gather3A_182 : vector<16xf32>
      scf.yield %add3A_133, %add3A_135, %add3A_149, %add3A_151, %add3A_165, %add3A_167, %add3A_181, %add3A_183 : vector<16xf32>, vector<16xf32>, vector<16xf32>, vector<16xf32>, vector<16xf32>, vector<16xf32>, vector<16xf32>, vector<16xf32>
    }
    %scan3A_35 = arith.constant 64 : i32
    %add3A_36 = arith.constant 8192 : i32
    %add3A_37 = arith.addi %mul3A_2, %add3A_36 : i32
    %dma_start3A_38 = arith.constant 0 : i32
    %dma_start3A_39 = arith.constant 0 : i32
    %dma_start3A_40 = tpu.memref_slice %arg5[%dma_start3A_38, %dma_start3A_39] : memref<2x4096xi32, #tpu.memory_space<vmem>> -> memref<1x4096xi32, #tpu.memory_space<vmem>>
    %dma_start3A_41 = tpu.memref_squeeze %dma_start3A_40 : memref<1x4096xi32, #tpu.memory_space<vmem>> -> memref<4096xi32, #tpu.memory_space<vmem>>
    %dma_start3A_42 = tpu.memref_slice %arg2[%add3A_37] : memref<524288xi32, #tpu.memory_space<hbm>> -> memref<4096xi32, #tpu.memory_space<hbm>>
    %dma_start3A_43 = arith.constant 0 : i32
    %dma_start3A_44 = tpu.memref_slice %arg5[%dma_start3A_38, %dma_start3A_43] : memref<2x4096xi32, #tpu.memory_space<vmem>> -> memref<1x4096xi32, #tpu.memory_space<vmem>>
    %dma_start3A_45 = tpu.memref_squeeze %dma_start3A_44 : memref<1x4096xi32, #tpu.memory_space<vmem>> -> memref<4096xi32, #tpu.memory_space<vmem>>
    %dma_start3A_46 = tpu.memref_slice %arg2[%add3A_37] : memref<524288xi32, #tpu.memory_space<hbm>> -> memref<4096xi32, #tpu.memory_space<hbm>>
    tpu.enqueue_dma source(%dma_start3A_46 : memref<4096xi32, #tpu.memory_space<hbm>>) target(%dma_start3A_45 : memref<4096xi32, #tpu.memory_space<vmem>>) target_semaphore(%arg8 : memref<!tpu.dma_semaphore, #tpu.memory_space<semaphore_mem>>)
    %dma_wait3A_47 = arith.constant 1 : i32
    %dma_wait3A_48 = arith.constant 0 : i32
    %dma_wait3A_49 = tpu.memref_slice %arg5[%dma_wait3A_47, %dma_wait3A_48] : memref<2x4096xi32, #tpu.memory_space<vmem>> -> memref<1x4096xi32, #tpu.memory_space<vmem>>
    %dma_wait3A_50 = tpu.memref_squeeze %dma_wait3A_49 : memref<1x4096xi32, #tpu.memory_space<vmem>> -> memref<4096xi32, #tpu.memory_space<vmem>>
    %dma_wait3A_51 = tpu.memref_slice %arg2[%add3A_13] : memref<524288xi32, #tpu.memory_space<hbm>> -> memref<4096xi32, #tpu.memory_space<hbm>>
    %dma_wait3A_52 = arith.constant 0 : i32
    %dma_wait3A_53 = tpu.memref_slice %arg5[%dma_wait3A_47, %dma_wait3A_52] : memref<2x4096xi32, #tpu.memory_space<vmem>> -> memref<1x4096xi32, #tpu.memory_space<vmem>>
    %dma_wait3A_54 = tpu.memref_squeeze %dma_wait3A_53 : memref<1x4096xi32, #tpu.memory_space<vmem>> -> memref<4096xi32, #tpu.memory_space<vmem>>
    %dma_wait3A_55 = tpu.memref_slice %arg2[%add3A_13] : memref<524288xi32, #tpu.memory_space<hbm>> -> memref<4096xi32, #tpu.memory_space<hbm>>
    tpu.wait_dma2 semaphore(%arg9 : memref<!tpu.dma_semaphore, #tpu.memory_space<semaphore_mem>>) src(%dma_wait3A_55 : memref<4096xi32, #tpu.memory_space<hbm>>) dst(%dma_wait3A_54 : memref<4096xi32, #tpu.memory_space<vmem>>)
    %scan3A_56 = arith.constant 0 : i32
    %scan3A_57 = arith.constant 64 : i32
    %scan3A_58 = arith.addi %scan3A_56, %scan3A_57 : i32
    %scan3A_59 = arith.constant 1 : i32
    %scan3A_60:8 = scf.for %scan3A_113 = %scan3A_56 to %scan3A_58 step %scan3A_59 iter_args(%scan3A_114 = %scan3A_34#0, %scan3A_115 = %scan3A_34#1, %scan3A_116 = %scan3A_34#2, %scan3A_117 = %scan3A_34#3, %scan3A_118 = %scan3A_34#4, %scan3A_119 = %scan3A_34#5, %scan3A_120 = %scan3A_34#6, %scan3A_121 = %scan3A_34#7) -> (vector<16xf32>, vector<16xf32>, vector<16xf32>, vector<16xf32>, vector<16xf32>, vector<16xf32>, vector<16xf32>, vector<16xf32>)  : i32 {
      %mul3A_122 = arith.constant 64 : i32
      %mul3A_123 = arith.muli %scan3A_113, %mul3A_122 : i32
      %add3A_124 = arith.constant 0 : i32
      %add3A_125 = arith.addi %mul3A_123, %add3A_124 : i32
      %get3A = arith.constant 1 : i32
      %get3A_126 = arith.index_cast %get3A : i32 to index
      %get3A_127 = arith.index_cast %add3A_125 : i32 to index
      %get3A_128 = tpu.vector_load %arg5[%get3A_126, %get3A_127] {strides = array<i32>} : memref<2x4096xi32, #tpu.memory_space<vmem>>, vector<16xi32>,
      %and3A = arith.constant 65535 : i32
      %and3A_129 = vector.broadcast %and3A : i32 to vector<16xi32>
      %and3A_130 = arith.andi %get3A_128, %and3A_129 : vector<16xi32>
      %shift_right_logical3A = arith.constant 16 : i32
      %shift_right_logical3A_131 = vector.broadcast %shift_right_logical3A : i32 to vector<16xi32>
      %shift_right_logical3A_132 = arith.shrui %get3A_128, %shift_right_logical3A_131 : vector<16xi32>
      %gather3A = tpu.vector_load_idx %arg6[%and3A_130] : memref<441xf32, #tpu.memory_space<vmem>>[vector<16xi32>], vector<16xf32>,
      %add3A_133 = arith.addf %scan3A_114, %gather3A : vector<16xf32>
      %gather3A_134 = tpu.vector_load_idx %arg6[%shift_right_logical3A_132] : memref<441xf32, #tpu.memory_space<vmem>>[vector<16xi32>], vector<16xf32>,
      %add3A_135 = arith.addf %scan3A_115, %gather3A_134 : vector<16xf32>
      %add3A_136 = arith.constant 16 : i32
      %add3A_137 = arith.addi %mul3A_123, %add3A_136 : i32
      %get3A_138 = arith.constant 1 : i32
      %get3A_139 = arith.index_cast %get3A_138 : i32 to index
      %get3A_140 = arith.index_cast %add3A_137 : i32 to index
      %get3A_141 = tpu.vector_load %arg5[%get3A_139, %get3A_140] {strides = array<i32>} : memref<2x4096xi32, #tpu.memory_space<vmem>>, vector<16xi32>,
      %and3A_142 = arith.constant 65535 : i32
      %and3A_143 = vector.broadcast %and3A_142 : i32 to vector<16xi32>
      %and3A_144 = arith.andi %get3A_141, %and3A_143 : vector<16xi32>
      %shift_right_logical3A_145 = arith.constant 16 : i32
      %shift_right_logical3A_146 = vector.broadcast %shift_right_logical3A_145 : i32 to vector<16xi32>
      %shift_right_logical3A_147 = arith.shrui %get3A_141, %shift_right_logical3A_146 : vector<16xi32>
      %gather3A_148 = tpu.vector_load_idx %arg6[%and3A_144] : memref<441xf32, #tpu.memory_space<vmem>>[vector<16xi32>], vector<16xf32>,
      %add3A_149 = arith.addf %scan3A_116, %gather3A_148 : vector<16xf32>
      %gather3A_150 = tpu.vector_load_idx %arg6[%shift_right_logical3A_147] : memref<441xf32, #tpu.memory_space<vmem>>[vector<16xi32>], vector<16xf32>,
      %add3A_151 = arith.addf %scan3A_117, %gather3A_150 : vector<16xf32>
      %add3A_152 = arith.constant 32 : i32
      %add3A_153 = arith.addi %mul3A_123, %add3A_152 : i32
      %get3A_154 = arith.constant 1 : i32
      %get3A_155 = arith.index_cast %get3A_154 : i32 to index
      %get3A_156 = arith.index_cast %add3A_153 : i32 to index
      %get3A_157 = tpu.vector_load %arg5[%get3A_155, %get3A_156] {strides = array<i32>} : memref<2x4096xi32, #tpu.memory_space<vmem>>, vector<16xi32>,
      %and3A_158 = arith.constant 65535 : i32
      %and3A_159 = vector.broadcast %and3A_158 : i32 to vector<16xi32>
      %and3A_160 = arith.andi %get3A_157, %and3A_159 : vector<16xi32>
      %shift_right_logical3A_161 = arith.constant 16 : i32
      %shift_right_logical3A_162 = vector.broadcast %shift_right_logical3A_161 : i32 to vector<16xi32>
      %shift_right_logical3A_163 = arith.shrui %get3A_157, %shift_right_logical3A_162 : vector<16xi32>
      %gather3A_164 = tpu.vector_load_idx %arg6[%and3A_160] : memref<441xf32, #tpu.memory_space<vmem>>[vector<16xi32>], vector<16xf32>,
      %add3A_165 = arith.addf %scan3A_118, %gather3A_164 : vector<16xf32>
      %gather3A_166 = tpu.vector_load_idx %arg6[%shift_right_logical3A_163] : memref<441xf32, #tpu.memory_space<vmem>>[vector<16xi32>], vector<16xf32>,
      %add3A_167 = arith.addf %scan3A_119, %gather3A_166 : vector<16xf32>
      %add3A_168 = arith.constant 48 : i32
      %add3A_169 = arith.addi %mul3A_123, %add3A_168 : i32
      %get3A_170 = arith.constant 1 : i32
      %get3A_171 = arith.index_cast %get3A_170 : i32 to index
      %get3A_172 = arith.index_cast %add3A_169 : i32 to index
      %get3A_173 = tpu.vector_load %arg5[%get3A_171, %get3A_172] {strides = array<i32>} : memref<2x4096xi32, #tpu.memory_space<vmem>>, vector<16xi32>,
      %and3A_174 = arith.constant 65535 : i32
      %and3A_175 = vector.broadcast %and3A_174 : i32 to vector<16xi32>
      %and3A_176 = arith.andi %get3A_173, %and3A_175 : vector<16xi32>
      %shift_right_logical3A_177 = arith.constant 16 : i32
      %shift_right_logical3A_178 = vector.broadcast %shift_right_logical3A_177 : i32 to vector<16xi32>
      %shift_right_logical3A_179 = arith.shrui %get3A_173, %shift_right_logical3A_178 : vector<16xi32>
      %gather3A_180 = tpu.vector_load_idx %arg6[%and3A_176] : memref<441xf32, #tpu.memory_space<vmem>>[vector<16xi32>], vector<16xf32>,
      %add3A_181 = arith.addf %scan3A_120, %gather3A_180 : vector<16xf32>
      %gather3A_182 = tpu.vector_load_idx %arg6[%shift_right_logical3A_179] : memref<441xf32, #tpu.memory_space<vmem>>[vector<16xi32>], vector<16xf32>,
      %add3A_183 = arith.addf %scan3A_121, %gather3A_182 : vector<16xf32>
      scf.yield %add3A_133, %add3A_135, %add3A_149, %add3A_151, %add3A_165, %add3A_167, %add3A_181, %add3A_183 : vector<16xf32>, vector<16xf32>, vector<16xf32>, vector<16xf32>, vector<16xf32>, vector<16xf32>, vector<16xf32>, vector<16xf32>
    }
    %scan3A_61 = arith.constant 64 : i32
    %add3A_62 = arith.constant 12288 : i32
    %add3A_63 = arith.addi %mul3A_2, %add3A_62 : i32
    %dma_start3A_64 = arith.constant 1 : i32
    %dma_start3A_65 = arith.constant 0 : i32
    %dma_start3A_66 = tpu.memref_slice %arg5[%dma_start3A_64, %dma_start3A_65] : memref<2x4096xi32, #tpu.memory_space<vmem>> -> memref<1x4096xi32, #tpu.memory_space<vmem>>
    %dma_start3A_67 = tpu.memref_squeeze %dma_start3A_66 : memref<1x4096xi32, #tpu.memory_space<vmem>> -> memref<4096xi32, #tpu.memory_space<vmem>>
    %dma_start3A_68 = tpu.memref_slice %arg2[%add3A_63] : memref<524288xi32, #tpu.memory_space<hbm>> -> memref<4096xi32, #tpu.memory_space<hbm>>
    %dma_start3A_69 = arith.constant 0 : i32
    %dma_start3A_70 = tpu.memref_slice %arg5[%dma_start3A_64, %dma_start3A_69] : memref<2x4096xi32, #tpu.memory_space<vmem>> -> memref<1x4096xi32, #tpu.memory_space<vmem>>
    %dma_start3A_71 = tpu.memref_squeeze %dma_start3A_70 : memref<1x4096xi32, #tpu.memory_space<vmem>> -> memref<4096xi32, #tpu.memory_space<vmem>>
    %dma_start3A_72 = tpu.memref_slice %arg2[%add3A_63] : memref<524288xi32, #tpu.memory_space<hbm>> -> memref<4096xi32, #tpu.memory_space<hbm>>
    tpu.enqueue_dma source(%dma_start3A_72 : memref<4096xi32, #tpu.memory_space<hbm>>) target(%dma_start3A_71 : memref<4096xi32, #tpu.memory_space<vmem>>) target_semaphore(%arg9 : memref<!tpu.dma_semaphore, #tpu.memory_space<semaphore_mem>>)
    %dma_wait3A_73 = arith.constant 0 : i32
    %dma_wait3A_74 = arith.constant 0 : i32
    %dma_wait3A_75 = tpu.memref_slice %arg5[%dma_wait3A_73, %dma_wait3A_74] : memref<2x4096xi32, #tpu.memory_space<vmem>> -> memref<1x4096xi32, #tpu.memory_space<vmem>>
    %dma_wait3A_76 = tpu.memref_squeeze %dma_wait3A_75 : memref<1x4096xi32, #tpu.memory_space<vmem>> -> memref<4096xi32, #tpu.memory_space<vmem>>
    %dma_wait3A_77 = tpu.memref_slice %arg2[%add3A_37] : memref<524288xi32, #tpu.memory_space<hbm>> -> memref<4096xi32, #tpu.memory_space<hbm>>
    %dma_wait3A_78 = arith.constant 0 : i32
    %dma_wait3A_79 = tpu.memref_slice %arg5[%dma_wait3A_73, %dma_wait3A_78] : memref<2x4096xi32, #tpu.memory_space<vmem>> -> memref<1x4096xi32, #tpu.memory_space<vmem>>
    %dma_wait3A_80 = tpu.memref_squeeze %dma_wait3A_79 : memref<1x4096xi32, #tpu.memory_space<vmem>> -> memref<4096xi32, #tpu.memory_space<vmem>>
    %dma_wait3A_81 = tpu.memref_slice %arg2[%add3A_37] : memref<524288xi32, #tpu.memory_space<hbm>> -> memref<4096xi32, #tpu.memory_space<hbm>>
    tpu.wait_dma2 semaphore(%arg8 : memref<!tpu.dma_semaphore, #tpu.memory_space<semaphore_mem>>) src(%dma_wait3A_81 : memref<4096xi32, #tpu.memory_space<hbm>>) dst(%dma_wait3A_80 : memref<4096xi32, #tpu.memory_space<vmem>>)
    %scan3A_82 = arith.constant 0 : i32
    %scan3A_83 = arith.constant 64 : i32
    %scan3A_84 = arith.addi %scan3A_82, %scan3A_83 : i32
    %scan3A_85 = arith.constant 1 : i32
    %scan3A_86:8 = scf.for %scan3A_113 = %scan3A_82 to %scan3A_84 step %scan3A_85 iter_args(%scan3A_114 = %scan3A_60#0, %scan3A_115 = %scan3A_60#1, %scan3A_116 = %scan3A_60#2, %scan3A_117 = %scan3A_60#3, %scan3A_118 = %scan3A_60#4, %scan3A_119 = %scan3A_60#5, %scan3A_120 = %scan3A_60#6, %scan3A_121 = %scan3A_60#7) -> (vector<16xf32>, vector<16xf32>, vector<16xf32>, vector<16xf32>, vector<16xf32>, vector<16xf32>, vector<16xf32>, vector<16xf32>)  : i32 {
      %mul3A_122 = arith.constant 64 : i32
      %mul3A_123 = arith.muli %scan3A_113, %mul3A_122 : i32
      %add3A_124 = arith.constant 0 : i32
      %add3A_125 = arith.addi %mul3A_123, %add3A_124 : i32
      %get3A = arith.constant 0 : i32
      %get3A_126 = arith.index_cast %get3A : i32 to index
      %get3A_127 = arith.index_cast %add3A_125 : i32 to index
      %get3A_128 = tpu.vector_load %arg5[%get3A_126, %get3A_127] {strides = array<i32>} : memref<2x4096xi32, #tpu.memory_space<vmem>>, vector<16xi32>,
      %and3A = arith.constant 65535 : i32
      %and3A_129 = vector.broadcast %and3A : i32 to vector<16xi32>
      %and3A_130 = arith.andi %get3A_128, %and3A_129 : vector<16xi32>
      %shift_right_logical3A = arith.constant 16 : i32
      %shift_right_logical3A_131 = vector.broadcast %shift_right_logical3A : i32 to vector<16xi32>
      %shift_right_logical3A_132 = arith.shrui %get3A_128, %shift_right_logical3A_131 : vector<16xi32>
      %gather3A = tpu.vector_load_idx %arg6[%and3A_130] : memref<441xf32, #tpu.memory_space<vmem>>[vector<16xi32>], vector<16xf32>,
      %add3A_133 = arith.addf %scan3A_114, %gather3A : vector<16xf32>
      %gather3A_134 = tpu.vector_load_idx %arg6[%shift_right_logical3A_132] : memref<441xf32, #tpu.memory_space<vmem>>[vector<16xi32>], vector<16xf32>,
      %add3A_135 = arith.addf %scan3A_115, %gather3A_134 : vector<16xf32>
      %add3A_136 = arith.constant 16 : i32
      %add3A_137 = arith.addi %mul3A_123, %add3A_136 : i32
      %get3A_138 = arith.constant 0 : i32
      %get3A_139 = arith.index_cast %get3A_138 : i32 to index
      %get3A_140 = arith.index_cast %add3A_137 : i32 to index
      %get3A_141 = tpu.vector_load %arg5[%get3A_139, %get3A_140] {strides = array<i32>} : memref<2x4096xi32, #tpu.memory_space<vmem>>, vector<16xi32>,
      %and3A_142 = arith.constant 65535 : i32
      %and3A_143 = vector.broadcast %and3A_142 : i32 to vector<16xi32>
      %and3A_144 = arith.andi %get3A_141, %and3A_143 : vector<16xi32>
      %shift_right_logical3A_145 = arith.constant 16 : i32
      %shift_right_logical3A_146 = vector.broadcast %shift_right_logical3A_145 : i32 to vector<16xi32>
      %shift_right_logical3A_147 = arith.shrui %get3A_141, %shift_right_logical3A_146 : vector<16xi32>
      %gather3A_148 = tpu.vector_load_idx %arg6[%and3A_144] : memref<441xf32, #tpu.memory_space<vmem>>[vector<16xi32>], vector<16xf32>,
      %add3A_149 = arith.addf %scan3A_116, %gather3A_148 : vector<16xf32>
      %gather3A_150 = tpu.vector_load_idx %arg6[%shift_right_logical3A_147] : memref<441xf32, #tpu.memory_space<vmem>>[vector<16xi32>], vector<16xf32>,
      %add3A_151 = arith.addf %scan3A_117, %gather3A_150 : vector<16xf32>
      %add3A_152 = arith.constant 32 : i32
      %add3A_153 = arith.addi %mul3A_123, %add3A_152 : i32
      %get3A_154 = arith.constant 0 : i32
      %get3A_155 = arith.index_cast %get3A_154 : i32 to index
      %get3A_156 = arith.index_cast %add3A_153 : i32 to index
      %get3A_157 = tpu.vector_load %arg5[%get3A_155, %get3A_156] {strides = array<i32>} : memref<2x4096xi32, #tpu.memory_space<vmem>>, vector<16xi32>,
      %and3A_158 = arith.constant 65535 : i32
      %and3A_159 = vector.broadcast %and3A_158 : i32 to vector<16xi32>
      %and3A_160 = arith.andi %get3A_157, %and3A_159 : vector<16xi32>
      %shift_right_logical3A_161 = arith.constant 16 : i32
      %shift_right_logical3A_162 = vector.broadcast %shift_right_logical3A_161 : i32 to vector<16xi32>
      %shift_right_logical3A_163 = arith.shrui %get3A_157, %shift_right_logical3A_162 : vector<16xi32>
      %gather3A_164 = tpu.vector_load_idx %arg6[%and3A_160] : memref<441xf32, #tpu.memory_space<vmem>>[vector<16xi32>], vector<16xf32>,
      %add3A_165 = arith.addf %scan3A_118, %gather3A_164 : vector<16xf32>
      %gather3A_166 = tpu.vector_load_idx %arg6[%shift_right_logical3A_163] : memref<441xf32, #tpu.memory_space<vmem>>[vector<16xi32>], vector<16xf32>,
      %add3A_167 = arith.addf %scan3A_119, %gather3A_166 : vector<16xf32>
      %add3A_168 = arith.constant 48 : i32
      %add3A_169 = arith.addi %mul3A_123, %add3A_168 : i32
      %get3A_170 = arith.constant 0 : i32
      %get3A_171 = arith.index_cast %get3A_170 : i32 to index
      %get3A_172 = arith.index_cast %add3A_169 : i32 to index
      %get3A_173 = tpu.vector_load %arg5[%get3A_171, %get3A_172] {strides = array<i32>} : memref<2x4096xi32, #tpu.memory_space<vmem>>, vector<16xi32>,
      %and3A_174 = arith.constant 65535 : i32
      %and3A_175 = vector.broadcast %and3A_174 : i32 to vector<16xi32>
      %and3A_176 = arith.andi %get3A_173, %and3A_175 : vector<16xi32>
      %shift_right_logical3A_177 = arith.constant 16 : i32
      %shift_right_logical3A_178 = vector.broadcast %shift_right_logical3A_177 : i32 to vector<16xi32>
      %shift_right_logical3A_179 = arith.shrui %get3A_173, %shift_right_logical3A_178 : vector<16xi32>
      %gather3A_180 = tpu.vector_load_idx %arg6[%and3A_176] : memref<441xf32, #tpu.memory_space<vmem>>[vector<16xi32>], vector<16xf32>,
      %add3A_181 = arith.addf %scan3A_120, %gather3A_180 : vector<16xf32>
      %gather3A_182 = tpu.vector_load_idx %arg6[%shift_right_logical3A_179] : memref<441xf32, #tpu.memory_space<vmem>>[vector<16xi32>], vector<16xf32>,
      %add3A_183 = arith.addf %scan3A_121, %gather3A_182 : vector<16xf32>
      scf.yield %add3A_133, %add3A_135, %add3A_149, %add3A_151, %add3A_165, %add3A_167, %add3A_181, %add3A_183 : vector<16xf32>, vector<16xf32>, vector<16xf32>, vector<16xf32>, vector<16xf32>, vector<16xf32>, vector<16xf32>, vector<16xf32>
    }
    %scan3A_87 = arith.constant 64 : i32
    %dma_wait3A_88 = arith.constant 1 : i32
    %dma_wait3A_89 = arith.constant 0 : i32
    %dma_wait3A_90 = tpu.memref_slice %arg5[%dma_wait3A_88, %dma_wait3A_89] : memref<2x4096xi32, #tpu.memory_space<vmem>> -> memref<1x4096xi32, #tpu.memory_space<vmem>>
    %dma_wait3A_91 = tpu.memref_squeeze %dma_wait3A_90 : memref<1x4096xi32, #tpu.memory_space<vmem>> -> memref<4096xi32, #tpu.memory_space<vmem>>
    %dma_wait3A_92 = tpu.memref_slice %arg2[%add3A_63] : memref<524288xi32, #tpu.memory_space<hbm>> -> memref<4096xi32, #tpu.memory_space<hbm>>
    %dma_wait3A_93 = arith.constant 0 : i32
    %dma_wait3A_94 = tpu.memref_slice %arg5[%dma_wait3A_88, %dma_wait3A_93] : memref<2x4096xi32, #tpu.memory_space<vmem>> -> memref<1x4096xi32, #tpu.memory_space<vmem>>
    %dma_wait3A_95 = tpu.memref_squeeze %dma_wait3A_94 : memref<1x4096xi32, #tpu.memory_space<vmem>> -> memref<4096xi32, #tpu.memory_space<vmem>>
    %dma_wait3A_96 = tpu.memref_slice %arg2[%add3A_63] : memref<524288xi32, #tpu.memory_space<hbm>> -> memref<4096xi32, #tpu.memory_space<hbm>>
    tpu.wait_dma2 semaphore(%arg9 : memref<!tpu.dma_semaphore, #tpu.memory_space<semaphore_mem>>) src(%dma_wait3A_96 : memref<4096xi32, #tpu.memory_space<hbm>>) dst(%dma_wait3A_95 : memref<4096xi32, #tpu.memory_space<vmem>>)
    %scan3A_97 = arith.constant 0 : i32
    %scan3A_98 = arith.constant 64 : i32
    %scan3A_99 = arith.addi %scan3A_97, %scan3A_98 : i32
    %scan3A_100 = arith.constant 1 : i32
    %scan3A_101:8 = scf.for %scan3A_113 = %scan3A_97 to %scan3A_99 step %scan3A_100 iter_args(%scan3A_114 = %scan3A_86#0, %scan3A_115 = %scan3A_86#1, %scan3A_116 = %scan3A_86#2, %scan3A_117 = %scan3A_86#3, %scan3A_118 = %scan3A_86#4, %scan3A_119 = %scan3A_86#5, %scan3A_120 = %scan3A_86#6, %scan3A_121 = %scan3A_86#7) -> (vector<16xf32>, vector<16xf32>, vector<16xf32>, vector<16xf32>, vector<16xf32>, vector<16xf32>, vector<16xf32>, vector<16xf32>)  : i32 {
      %mul3A_122 = arith.constant 64 : i32
      %mul3A_123 = arith.muli %scan3A_113, %mul3A_122 : i32
      %add3A_124 = arith.constant 0 : i32
      %add3A_125 = arith.addi %mul3A_123, %add3A_124 : i32
      %get3A = arith.constant 1 : i32
      %get3A_126 = arith.index_cast %get3A : i32 to index
      %get3A_127 = arith.index_cast %add3A_125 : i32 to index
      %get3A_128 = tpu.vector_load %arg5[%get3A_126, %get3A_127] {strides = array<i32>} : memref<2x4096xi32, #tpu.memory_space<vmem>>, vector<16xi32>,
      %and3A = arith.constant 65535 : i32
      %and3A_129 = vector.broadcast %and3A : i32 to vector<16xi32>
      %and3A_130 = arith.andi %get3A_128, %and3A_129 : vector<16xi32>
      %shift_right_logical3A = arith.constant 16 : i32
      %shift_right_logical3A_131 = vector.broadcast %shift_right_logical3A : i32 to vector<16xi32>
      %shift_right_logical3A_132 = arith.shrui %get3A_128, %shift_right_logical3A_131 : vector<16xi32>
      %gather3A = tpu.vector_load_idx %arg6[%and3A_130] : memref<441xf32, #tpu.memory_space<vmem>>[vector<16xi32>], vector<16xf32>,
      %add3A_133 = arith.addf %scan3A_114, %gather3A : vector<16xf32>
      %gather3A_134 = tpu.vector_load_idx %arg6[%shift_right_logical3A_132] : memref<441xf32, #tpu.memory_space<vmem>>[vector<16xi32>], vector<16xf32>,
      %add3A_135 = arith.addf %scan3A_115, %gather3A_134 : vector<16xf32>
      %add3A_136 = arith.constant 16 : i32
      %add3A_137 = arith.addi %mul3A_123, %add3A_136 : i32
      %get3A_138 = arith.constant 1 : i32
      %get3A_139 = arith.index_cast %get3A_138 : i32 to index
      %get3A_140 = arith.index_cast %add3A_137 : i32 to index
      %get3A_141 = tpu.vector_load %arg5[%get3A_139, %get3A_140] {strides = array<i32>} : memref<2x4096xi32, #tpu.memory_space<vmem>>, vector<16xi32>,
      %and3A_142 = arith.constant 65535 : i32
      %and3A_143 = vector.broadcast %and3A_142 : i32 to vector<16xi32>
      %and3A_144 = arith.andi %get3A_141, %and3A_143 : vector<16xi32>
      %shift_right_logical3A_145 = arith.constant 16 : i32
      %shift_right_logical3A_146 = vector.broadcast %shift_right_logical3A_145 : i32 to vector<16xi32>
      %shift_right_logical3A_147 = arith.shrui %get3A_141, %shift_right_logical3A_146 : vector<16xi32>
      %gather3A_148 = tpu.vector_load_idx %arg6[%and3A_144] : memref<441xf32, #tpu.memory_space<vmem>>[vector<16xi32>], vector<16xf32>,
      %add3A_149 = arith.addf %scan3A_116, %gather3A_148 : vector<16xf32>
      %gather3A_150 = tpu.vector_load_idx %arg6[%shift_right_logical3A_147] : memref<441xf32, #tpu.memory_space<vmem>>[vector<16xi32>], vector<16xf32>,
      %add3A_151 = arith.addf %scan3A_117, %gather3A_150 : vector<16xf32>
      %add3A_152 = arith.constant 32 : i32
      %add3A_153 = arith.addi %mul3A_123, %add3A_152 : i32
      %get3A_154 = arith.constant 1 : i32
      %get3A_155 = arith.index_cast %get3A_154 : i32 to index
      %get3A_156 = arith.index_cast %add3A_153 : i32 to index
      %get3A_157 = tpu.vector_load %arg5[%get3A_155, %get3A_156] {strides = array<i32>} : memref<2x4096xi32, #tpu.memory_space<vmem>>, vector<16xi32>,
      %and3A_158 = arith.constant 65535 : i32
      %and3A_159 = vector.broadcast %and3A_158 : i32 to vector<16xi32>
      %and3A_160 = arith.andi %get3A_157, %and3A_159 : vector<16xi32>
      %shift_right_logical3A_161 = arith.constant 16 : i32
      %shift_right_logical3A_162 = vector.broadcast %shift_right_logical3A_161 : i32 to vector<16xi32>
      %shift_right_logical3A_163 = arith.shrui %get3A_157, %shift_right_logical3A_162 : vector<16xi32>
      %gather3A_164 = tpu.vector_load_idx %arg6[%and3A_160] : memref<441xf32, #tpu.memory_space<vmem>>[vector<16xi32>], vector<16xf32>,
      %add3A_165 = arith.addf %scan3A_118, %gather3A_164 : vector<16xf32>
      %gather3A_166 = tpu.vector_load_idx %arg6[%shift_right_logical3A_163] : memref<441xf32, #tpu.memory_space<vmem>>[vector<16xi32>], vector<16xf32>,
      %add3A_167 = arith.addf %scan3A_119, %gather3A_166 : vector<16xf32>
      %add3A_168 = arith.constant 48 : i32
      %add3A_169 = arith.addi %mul3A_123, %add3A_168 : i32
      %get3A_170 = arith.constant 1 : i32
      %get3A_171 = arith.index_cast %get3A_170 : i32 to index
      %get3A_172 = arith.index_cast %add3A_169 : i32 to index
      %get3A_173 = tpu.vector_load %arg5[%get3A_171, %get3A_172] {strides = array<i32>} : memref<2x4096xi32, #tpu.memory_space<vmem>>, vector<16xi32>,
      %and3A_174 = arith.constant 65535 : i32
      %and3A_175 = vector.broadcast %and3A_174 : i32 to vector<16xi32>
      %and3A_176 = arith.andi %get3A_173, %and3A_175 : vector<16xi32>
      %shift_right_logical3A_177 = arith.constant 16 : i32
      %shift_right_logical3A_178 = vector.broadcast %shift_right_logical3A_177 : i32 to vector<16xi32>
      %shift_right_logical3A_179 = arith.shrui %get3A_173, %shift_right_logical3A_178 : vector<16xi32>
      %gather3A_180 = tpu.vector_load_idx %arg6[%and3A_176] : memref<441xf32, #tpu.memory_space<vmem>>[vector<16xi32>], vector<16xf32>,
      %add3A_181 = arith.addf %scan3A_120, %gather3A_180 : vector<16xf32>
      %gather3A_182 = tpu.vector_load_idx %arg6[%shift_right_logical3A_179] : memref<441xf32, #tpu.memory_space<vmem>>[vector<16xi32>], vector<16xf32>,
      %add3A_183 = arith.addf %scan3A_121, %gather3A_182 : vector<16xf32>
      scf.yield %add3A_133, %add3A_135, %add3A_149, %add3A_151, %add3A_165, %add3A_167, %add3A_181, %add3A_183 : vector<16xf32>, vector<16xf32>, vector<16xf32>, vector<16xf32>, vector<16xf32>, vector<16xf32>, vector<16xf32>, vector<16xf32>
    }
    %scan3A_102 = arith.constant 64 : i32
    %add3A_103 = arith.addf %scan3A_101#0, %scan3A_101#1 : vector<16xf32>
    %add3A_104 = arith.addf %scan3A_101#2, %scan3A_101#3 : vector<16xf32>
    %add3A_105 = arith.addf %add3A_103, %add3A_104 : vector<16xf32>
    %add3A_106 = arith.addf %scan3A_101#4, %scan3A_101#5 : vector<16xf32>
    %add3A_107 = arith.addf %scan3A_101#6, %scan3A_101#7 : vector<16xf32>
    %add3A_108 = arith.addf %add3A_106, %add3A_107 : vector<16xf32>
    %add3A_109 = arith.addf %add3A_105, %add3A_108 : vector<16xf32>
    %swap3A = arith.constant 0 : index
    %swap3A_110 = tpu.vector_load %arg7[%swap3A] {strides = array<i32>} : memref<16xf32, #tpu.memory_space<vmem>>, vector<16xf32>,
    tpu.vector_store %arg7[%swap3A], %add3A_109 {strides = array<i32>} : memref<16xf32, #tpu.memory_space<vmem>>, vector<16xf32>,
    %mul3A_111 = arith.constant 16 : i32
    %mul3A_112 = arith.muli %add3A, %mul3A_111 : i32
    "tpu.region"() ({
      %run_scoped3A = tpu.sem_alloc : memref<!tpu.dma_semaphore, #tpu.memory_space<semaphore_mem>>
      %dma_start3A_113 = tpu.memref_slice %arg4[%mul3A_112] : memref<512xf32, #tpu.memory_space<hbm>> -> memref<16xf32, #tpu.memory_space<hbm>>
      %dma_start3A_114 = tpu.memref_slice %arg4[%mul3A_112] : memref<512xf32, #tpu.memory_space<hbm>> -> memref<16xf32, #tpu.memory_space<hbm>>
      tpu.enqueue_dma source(%arg7 : memref<16xf32, #tpu.memory_space<vmem>>) target(%dma_start3A_114 : memref<16xf32, #tpu.memory_space<hbm>>) target_semaphore(%run_scoped3A : memref<!tpu.dma_semaphore, #tpu.memory_space<semaphore_mem>>)
      %dma_wait3A_115 = tpu.memref_slice %arg4[%mul3A_112] : memref<512xf32, #tpu.memory_space<hbm>> -> memref<16xf32, #tpu.memory_space<hbm>>
      %dma_wait3A_116 = tpu.memref_slice %arg4[%mul3A_112] : memref<512xf32, #tpu.memory_space<hbm>> -> memref<16xf32, #tpu.memory_space<hbm>>
      tpu.wait_dma2 semaphore(%run_scoped3A : memref<!tpu.dma_semaphore, #tpu.memory_space<semaphore_mem>>) src(%arg7 : memref<16xf32, #tpu.memory_space<vmem>>) dst(%dma_wait3A_116 : memref<16xf32, #tpu.memory_space<hbm>>)
      tpu.yield
    }) : () -> ()
    return
  }
}

module attributes {stable_mosaic.version = 14 : i64} {
  func.func @_argmax_idx_body(%arg0: i32, %arg1: i32, %arg2: memref<1x21x256x512xf32, #tpu.memory_space<vmem>>, %arg3: memref<1x256x512xi32, #tpu.memory_space<vmem>>, %arg4: memref<1x128x512xi32, #tpu.memory_space<vmem>>) attributes {dimension_semantics = [#tpu.dimension_semantics<arbitrary>, #tpu.dimension_semantics<arbitrary>], iteration_bounds = array<i64: 4, 2>, scalar_prefetch = 0 : i64, scratch_operands = 0 : i64, tpu.core_type = #tpu.core_type<tc>, window_params = [{transform_indices = @transform_0, window_bounds = array<i64: 1, 21, 256, 512>}, {transform_indices = @transform_1, window_bounds = array<i64: 1, 256, 512>}, {transform_indices = @transform_2, window_bounds = array<i64: 1, 128, 512>}]} {
    %get3A = arith.constant 0 : index
    %get3A_0 = arith.constant 0 : index
    %get3A_1 = arith.constant 0 : index
    %get3A_2 = arith.constant 0 : index
    %get3A_3 = vector.load %arg2[%get3A, %get3A_0, %get3A_1, %get3A_2] : memref<1x21x256x512xf32, #tpu.memory_space<vmem>>, vector<1x1x256x512xf32>
    %get3A_4 = vector.shape_cast %get3A_3 : vector<1x1x256x512xf32> to vector<256x512xf32>
    %get3A_5 = arith.constant 0 : index
    %get3A_6 = arith.constant 1 : index
    %get3A_7 = arith.constant 0 : index
    %get3A_8 = arith.constant 0 : index
    %get3A_9 = vector.load %arg2[%get3A_5, %get3A_6, %get3A_7, %get3A_8] : memref<1x21x256x512xf32, #tpu.memory_space<vmem>>, vector<1x1x256x512xf32>
    %get3A_10 = vector.shape_cast %get3A_9 : vector<1x1x256x512xf32> to vector<256x512xf32>
    %max3A = arith.maximumf %get3A_4, %get3A_10 : vector<256x512xf32>
    %get3A_11 = arith.constant 0 : index
    %get3A_12 = arith.constant 2 : index
    %get3A_13 = arith.constant 0 : index
    %get3A_14 = arith.constant 0 : index
    %get3A_15 = vector.load %arg2[%get3A_11, %get3A_12, %get3A_13, %get3A_14] : memref<1x21x256x512xf32, #tpu.memory_space<vmem>>, vector<1x1x256x512xf32>
    %get3A_16 = vector.shape_cast %get3A_15 : vector<1x1x256x512xf32> to vector<256x512xf32>
    %max3A_17 = arith.maximumf %max3A, %get3A_16 : vector<256x512xf32>
    %get3A_18 = arith.constant 0 : index
    %get3A_19 = arith.constant 3 : index
    %get3A_20 = arith.constant 0 : index
    %get3A_21 = arith.constant 0 : index
    %get3A_22 = vector.load %arg2[%get3A_18, %get3A_19, %get3A_20, %get3A_21] : memref<1x21x256x512xf32, #tpu.memory_space<vmem>>, vector<1x1x256x512xf32>
    %get3A_23 = vector.shape_cast %get3A_22 : vector<1x1x256x512xf32> to vector<256x512xf32>
    %max3A_24 = arith.maximumf %max3A_17, %get3A_23 : vector<256x512xf32>
    %get3A_25 = arith.constant 0 : index
    %get3A_26 = arith.constant 4 : index
    %get3A_27 = arith.constant 0 : index
    %get3A_28 = arith.constant 0 : index
    %get3A_29 = vector.load %arg2[%get3A_25, %get3A_26, %get3A_27, %get3A_28] : memref<1x21x256x512xf32, #tpu.memory_space<vmem>>, vector<1x1x256x512xf32>
    %get3A_30 = vector.shape_cast %get3A_29 : vector<1x1x256x512xf32> to vector<256x512xf32>
    %max3A_31 = arith.maximumf %max3A_24, %get3A_30 : vector<256x512xf32>
    %get3A_32 = arith.constant 0 : index
    %get3A_33 = arith.constant 5 : index
    %get3A_34 = arith.constant 0 : index
    %get3A_35 = arith.constant 0 : index
    %get3A_36 = vector.load %arg2[%get3A_32, %get3A_33, %get3A_34, %get3A_35] : memref<1x21x256x512xf32, #tpu.memory_space<vmem>>, vector<1x1x256x512xf32>
    %get3A_37 = vector.shape_cast %get3A_36 : vector<1x1x256x512xf32> to vector<256x512xf32>
    %max3A_38 = arith.maximumf %max3A_31, %get3A_37 : vector<256x512xf32>
    %get3A_39 = arith.constant 0 : index
    %get3A_40 = arith.constant 6 : index
    %get3A_41 = arith.constant 0 : index
    %get3A_42 = arith.constant 0 : index
    %get3A_43 = vector.load %arg2[%get3A_39, %get3A_40, %get3A_41, %get3A_42] : memref<1x21x256x512xf32, #tpu.memory_space<vmem>>, vector<1x1x256x512xf32>
    %get3A_44 = vector.shape_cast %get3A_43 : vector<1x1x256x512xf32> to vector<256x512xf32>
    %max3A_45 = arith.maximumf %max3A_38, %get3A_44 : vector<256x512xf32>
    %get3A_46 = arith.constant 0 : index
    %get3A_47 = arith.constant 7 : index
    %get3A_48 = arith.constant 0 : index
    %get3A_49 = arith.constant 0 : index
    %get3A_50 = vector.load %arg2[%get3A_46, %get3A_47, %get3A_48, %get3A_49] : memref<1x21x256x512xf32, #tpu.memory_space<vmem>>, vector<1x1x256x512xf32>
    %get3A_51 = vector.shape_cast %get3A_50 : vector<1x1x256x512xf32> to vector<256x512xf32>
    %max3A_52 = arith.maximumf %max3A_45, %get3A_51 : vector<256x512xf32>
    %get3A_53 = arith.constant 0 : index
    %get3A_54 = arith.constant 8 : index
    %get3A_55 = arith.constant 0 : index
    %get3A_56 = arith.constant 0 : index
    %get3A_57 = vector.load %arg2[%get3A_53, %get3A_54, %get3A_55, %get3A_56] : memref<1x21x256x512xf32, #tpu.memory_space<vmem>>, vector<1x1x256x512xf32>
    %get3A_58 = vector.shape_cast %get3A_57 : vector<1x1x256x512xf32> to vector<256x512xf32>
    %max3A_59 = arith.maximumf %max3A_52, %get3A_58 : vector<256x512xf32>
    %get3A_60 = arith.constant 0 : index
    %get3A_61 = arith.constant 9 : index
    %get3A_62 = arith.constant 0 : index
    %get3A_63 = arith.constant 0 : index
    %get3A_64 = vector.load %arg2[%get3A_60, %get3A_61, %get3A_62, %get3A_63] : memref<1x21x256x512xf32, #tpu.memory_space<vmem>>, vector<1x1x256x512xf32>
    %get3A_65 = vector.shape_cast %get3A_64 : vector<1x1x256x512xf32> to vector<256x512xf32>
    %max3A_66 = arith.maximumf %max3A_59, %get3A_65 : vector<256x512xf32>
    %get3A_67 = arith.constant 0 : index
    %get3A_68 = arith.constant 10 : index
    %get3A_69 = arith.constant 0 : index
    %get3A_70 = arith.constant 0 : index
    %get3A_71 = vector.load %arg2[%get3A_67, %get3A_68, %get3A_69, %get3A_70] : memref<1x21x256x512xf32, #tpu.memory_space<vmem>>, vector<1x1x256x512xf32>
    %get3A_72 = vector.shape_cast %get3A_71 : vector<1x1x256x512xf32> to vector<256x512xf32>
    %max3A_73 = arith.maximumf %max3A_66, %get3A_72 : vector<256x512xf32>
    %get3A_74 = arith.constant 0 : index
    %get3A_75 = arith.constant 11 : index
    %get3A_76 = arith.constant 0 : index
    %get3A_77 = arith.constant 0 : index
    %get3A_78 = vector.load %arg2[%get3A_74, %get3A_75, %get3A_76, %get3A_77] : memref<1x21x256x512xf32, #tpu.memory_space<vmem>>, vector<1x1x256x512xf32>
    %get3A_79 = vector.shape_cast %get3A_78 : vector<1x1x256x512xf32> to vector<256x512xf32>
    %max3A_80 = arith.maximumf %max3A_73, %get3A_79 : vector<256x512xf32>
    %get3A_81 = arith.constant 0 : index
    %get3A_82 = arith.constant 12 : index
    %get3A_83 = arith.constant 0 : index
    %get3A_84 = arith.constant 0 : index
    %get3A_85 = vector.load %arg2[%get3A_81, %get3A_82, %get3A_83, %get3A_84] : memref<1x21x256x512xf32, #tpu.memory_space<vmem>>, vector<1x1x256x512xf32>
    %get3A_86 = vector.shape_cast %get3A_85 : vector<1x1x256x512xf32> to vector<256x512xf32>
    %max3A_87 = arith.maximumf %max3A_80, %get3A_86 : vector<256x512xf32>
    %get3A_88 = arith.constant 0 : index
    %get3A_89 = arith.constant 13 : index
    %get3A_90 = arith.constant 0 : index
    %get3A_91 = arith.constant 0 : index
    %get3A_92 = vector.load %arg2[%get3A_88, %get3A_89, %get3A_90, %get3A_91] : memref<1x21x256x512xf32, #tpu.memory_space<vmem>>, vector<1x1x256x512xf32>
    %get3A_93 = vector.shape_cast %get3A_92 : vector<1x1x256x512xf32> to vector<256x512xf32>
    %max3A_94 = arith.maximumf %max3A_87, %get3A_93 : vector<256x512xf32>
    %get3A_95 = arith.constant 0 : index
    %get3A_96 = arith.constant 14 : index
    %get3A_97 = arith.constant 0 : index
    %get3A_98 = arith.constant 0 : index
    %get3A_99 = vector.load %arg2[%get3A_95, %get3A_96, %get3A_97, %get3A_98] : memref<1x21x256x512xf32, #tpu.memory_space<vmem>>, vector<1x1x256x512xf32>
    %get3A_100 = vector.shape_cast %get3A_99 : vector<1x1x256x512xf32> to vector<256x512xf32>
    %max3A_101 = arith.maximumf %max3A_94, %get3A_100 : vector<256x512xf32>
    %get3A_102 = arith.constant 0 : index
    %get3A_103 = arith.constant 15 : index
    %get3A_104 = arith.constant 0 : index
    %get3A_105 = arith.constant 0 : index
    %get3A_106 = vector.load %arg2[%get3A_102, %get3A_103, %get3A_104, %get3A_105] : memref<1x21x256x512xf32, #tpu.memory_space<vmem>>, vector<1x1x256x512xf32>
    %get3A_107 = vector.shape_cast %get3A_106 : vector<1x1x256x512xf32> to vector<256x512xf32>
    %max3A_108 = arith.maximumf %max3A_101, %get3A_107 : vector<256x512xf32>
    %get3A_109 = arith.constant 0 : index
    %get3A_110 = arith.constant 16 : index
    %get3A_111 = arith.constant 0 : index
    %get3A_112 = arith.constant 0 : index
    %get3A_113 = vector.load %arg2[%get3A_109, %get3A_110, %get3A_111, %get3A_112] : memref<1x21x256x512xf32, #tpu.memory_space<vmem>>, vector<1x1x256x512xf32>
    %get3A_114 = vector.shape_cast %get3A_113 : vector<1x1x256x512xf32> to vector<256x512xf32>
    %max3A_115 = arith.maximumf %max3A_108, %get3A_114 : vector<256x512xf32>
    %get3A_116 = arith.constant 0 : index
    %get3A_117 = arith.constant 17 : index
    %get3A_118 = arith.constant 0 : index
    %get3A_119 = arith.constant 0 : index
    %get3A_120 = vector.load %arg2[%get3A_116, %get3A_117, %get3A_118, %get3A_119] : memref<1x21x256x512xf32, #tpu.memory_space<vmem>>, vector<1x1x256x512xf32>
    %get3A_121 = vector.shape_cast %get3A_120 : vector<1x1x256x512xf32> to vector<256x512xf32>
    %max3A_122 = arith.maximumf %max3A_115, %get3A_121 : vector<256x512xf32>
    %get3A_123 = arith.constant 0 : index
    %get3A_124 = arith.constant 18 : index
    %get3A_125 = arith.constant 0 : index
    %get3A_126 = arith.constant 0 : index
    %get3A_127 = vector.load %arg2[%get3A_123, %get3A_124, %get3A_125, %get3A_126] : memref<1x21x256x512xf32, #tpu.memory_space<vmem>>, vector<1x1x256x512xf32>
    %get3A_128 = vector.shape_cast %get3A_127 : vector<1x1x256x512xf32> to vector<256x512xf32>
    %max3A_129 = arith.maximumf %max3A_122, %get3A_128 : vector<256x512xf32>
    %get3A_130 = arith.constant 0 : index
    %get3A_131 = arith.constant 19 : index
    %get3A_132 = arith.constant 0 : index
    %get3A_133 = arith.constant 0 : index
    %get3A_134 = vector.load %arg2[%get3A_130, %get3A_131, %get3A_132, %get3A_133] : memref<1x21x256x512xf32, #tpu.memory_space<vmem>>, vector<1x1x256x512xf32>
    %get3A_135 = vector.shape_cast %get3A_134 : vector<1x1x256x512xf32> to vector<256x512xf32>
    %max3A_136 = arith.maximumf %max3A_129, %get3A_135 : vector<256x512xf32>
    %get3A_137 = arith.constant 0 : index
    %get3A_138 = arith.constant 20 : index
    %get3A_139 = arith.constant 0 : index
    %get3A_140 = arith.constant 0 : index
    %get3A_141 = vector.load %arg2[%get3A_137, %get3A_138, %get3A_139, %get3A_140] : memref<1x21x256x512xf32, #tpu.memory_space<vmem>>, vector<1x1x256x512xf32>
    %get3A_142 = vector.shape_cast %get3A_141 : vector<1x1x256x512xf32> to vector<256x512xf32>
    %max3A_143 = arith.maximumf %max3A_136, %get3A_142 : vector<256x512xf32>
    %get3A_144 = arith.constant 0 : index
    %get3A_145 = arith.constant 0 : index
    %get3A_146 = arith.constant 0 : index
    %get3A_147 = arith.constant 0 : index
    %get3A_148 = vector.load %arg2[%get3A_144, %get3A_145, %get3A_146, %get3A_147] : memref<1x21x256x512xf32, #tpu.memory_space<vmem>>, vector<1x1x256x512xf32>
    %get3A_149 = vector.shape_cast %get3A_148 : vector<1x1x256x512xf32> to vector<256x512xf32>
    %eq3A = arith.cmpf oeq, %get3A_149, %max3A_143 : vector<256x512xf32>
    %jit3A = arith.constant 0.000000e+00 : f32
    %jit3A_150 = arith.constant 2.100000e+01 : f32
    %broadcast_in_dim3A = vector.broadcast %jit3A : f32 to vector<256x512xf32>
    %broadcast_in_dim3A_151 = vector.broadcast %jit3A_150 : f32 to vector<256x512xf32>
    %select_n3A = arith.select %eq3A, %broadcast_in_dim3A, %broadcast_in_dim3A_151 : vector<256x512xi1>, vector<256x512xf32>
    %get3A_152 = arith.constant 0 : index
    %get3A_153 = arith.constant 1 : index
    %get3A_154 = arith.constant 0 : index
    %get3A_155 = arith.constant 0 : index
    %get3A_156 = vector.load %arg2[%get3A_152, %get3A_153, %get3A_154, %get3A_155] : memref<1x21x256x512xf32, #tpu.memory_space<vmem>>, vector<1x1x256x512xf32>
    %get3A_157 = vector.shape_cast %get3A_156 : vector<1x1x256x512xf32> to vector<256x512xf32>
    %eq3A_158 = arith.cmpf oeq, %get3A_157, %max3A_143 : vector<256x512xf32>
    %jit3A_159 = arith.constant 1.000000e+00 : f32
    %jit3A_160 = arith.constant 2.100000e+01 : f32
    %broadcast_in_dim3A_161 = vector.broadcast %jit3A_159 : f32 to vector<256x512xf32>
    %broadcast_in_dim3A_162 = vector.broadcast %jit3A_160 : f32 to vector<256x512xf32>
    %select_n3A_163 = arith.select %eq3A_158, %broadcast_in_dim3A_161, %broadcast_in_dim3A_162 : vector<256x512xi1>, vector<256x512xf32>
    %min3A = arith.minimumf %select_n3A, %select_n3A_163 : vector<256x512xf32>
    %get3A_164 = arith.constant 0 : index
    %get3A_165 = arith.constant 2 : index
    %get3A_166 = arith.constant 0 : index
    %get3A_167 = arith.constant 0 : index
    %get3A_168 = vector.load %arg2[%get3A_164, %get3A_165, %get3A_166, %get3A_167] : memref<1x21x256x512xf32, #tpu.memory_space<vmem>>, vector<1x1x256x512xf32>
    %get3A_169 = vector.shape_cast %get3A_168 : vector<1x1x256x512xf32> to vector<256x512xf32>
    %eq3A_170 = arith.cmpf oeq, %get3A_169, %max3A_143 : vector<256x512xf32>
    %jit3A_171 = arith.constant 2.000000e+00 : f32
    %jit3A_172 = arith.constant 2.100000e+01 : f32
    %broadcast_in_dim3A_173 = vector.broadcast %jit3A_171 : f32 to vector<256x512xf32>
    %broadcast_in_dim3A_174 = vector.broadcast %jit3A_172 : f32 to vector<256x512xf32>
    %select_n3A_175 = arith.select %eq3A_170, %broadcast_in_dim3A_173, %broadcast_in_dim3A_174 : vector<256x512xi1>, vector<256x512xf32>
    %min3A_176 = arith.minimumf %min3A, %select_n3A_175 : vector<256x512xf32>
    %get3A_177 = arith.constant 0 : index
    %get3A_178 = arith.constant 3 : index
    %get3A_179 = arith.constant 0 : index
    %get3A_180 = arith.constant 0 : index
    %get3A_181 = vector.load %arg2[%get3A_177, %get3A_178, %get3A_179, %get3A_180] : memref<1x21x256x512xf32, #tpu.memory_space<vmem>>, vector<1x1x256x512xf32>
    %get3A_182 = vector.shape_cast %get3A_181 : vector<1x1x256x512xf32> to vector<256x512xf32>
    %eq3A_183 = arith.cmpf oeq, %get3A_182, %max3A_143 : vector<256x512xf32>
    %jit3A_184 = arith.constant 3.000000e+00 : f32
    %jit3A_185 = arith.constant 2.100000e+01 : f32
    %broadcast_in_dim3A_186 = vector.broadcast %jit3A_184 : f32 to vector<256x512xf32>
    %broadcast_in_dim3A_187 = vector.broadcast %jit3A_185 : f32 to vector<256x512xf32>
    %select_n3A_188 = arith.select %eq3A_183, %broadcast_in_dim3A_186, %broadcast_in_dim3A_187 : vector<256x512xi1>, vector<256x512xf32>
    %min3A_189 = arith.minimumf %min3A_176, %select_n3A_188 : vector<256x512xf32>
    %get3A_190 = arith.constant 0 : index
    %get3A_191 = arith.constant 4 : index
    %get3A_192 = arith.constant 0 : index
    %get3A_193 = arith.constant 0 : index
    %get3A_194 = vector.load %arg2[%get3A_190, %get3A_191, %get3A_192, %get3A_193] : memref<1x21x256x512xf32, #tpu.memory_space<vmem>>, vector<1x1x256x512xf32>
    %get3A_195 = vector.shape_cast %get3A_194 : vector<1x1x256x512xf32> to vector<256x512xf32>
    %eq3A_196 = arith.cmpf oeq, %get3A_195, %max3A_143 : vector<256x512xf32>
    %jit3A_197 = arith.constant 4.000000e+00 : f32
    %jit3A_198 = arith.constant 2.100000e+01 : f32
    %broadcast_in_dim3A_199 = vector.broadcast %jit3A_197 : f32 to vector<256x512xf32>
    %broadcast_in_dim3A_200 = vector.broadcast %jit3A_198 : f32 to vector<256x512xf32>
    %select_n3A_201 = arith.select %eq3A_196, %broadcast_in_dim3A_199, %broadcast_in_dim3A_200 : vector<256x512xi1>, vector<256x512xf32>
    %min3A_202 = arith.minimumf %min3A_189, %select_n3A_201 : vector<256x512xf32>
    %get3A_203 = arith.constant 0 : index
    %get3A_204 = arith.constant 5 : index
    %get3A_205 = arith.constant 0 : index
    %get3A_206 = arith.constant 0 : index
    %get3A_207 = vector.load %arg2[%get3A_203, %get3A_204, %get3A_205, %get3A_206] : memref<1x21x256x512xf32, #tpu.memory_space<vmem>>, vector<1x1x256x512xf32>
    %get3A_208 = vector.shape_cast %get3A_207 : vector<1x1x256x512xf32> to vector<256x512xf32>
    %eq3A_209 = arith.cmpf oeq, %get3A_208, %max3A_143 : vector<256x512xf32>
    %jit3A_210 = arith.constant 5.000000e+00 : f32
    %jit3A_211 = arith.constant 2.100000e+01 : f32
    %broadcast_in_dim3A_212 = vector.broadcast %jit3A_210 : f32 to vector<256x512xf32>
    %broadcast_in_dim3A_213 = vector.broadcast %jit3A_211 : f32 to vector<256x512xf32>
    %select_n3A_214 = arith.select %eq3A_209, %broadcast_in_dim3A_212, %broadcast_in_dim3A_213 : vector<256x512xi1>, vector<256x512xf32>
    %min3A_215 = arith.minimumf %min3A_202, %select_n3A_214 : vector<256x512xf32>
    %get3A_216 = arith.constant 0 : index
    %get3A_217 = arith.constant 6 : index
    %get3A_218 = arith.constant 0 : index
    %get3A_219 = arith.constant 0 : index
    %get3A_220 = vector.load %arg2[%get3A_216, %get3A_217, %get3A_218, %get3A_219] : memref<1x21x256x512xf32, #tpu.memory_space<vmem>>, vector<1x1x256x512xf32>
    %get3A_221 = vector.shape_cast %get3A_220 : vector<1x1x256x512xf32> to vector<256x512xf32>
    %eq3A_222 = arith.cmpf oeq, %get3A_221, %max3A_143 : vector<256x512xf32>
    %jit3A_223 = arith.constant 6.000000e+00 : f32
    %jit3A_224 = arith.constant 2.100000e+01 : f32
    %broadcast_in_dim3A_225 = vector.broadcast %jit3A_223 : f32 to vector<256x512xf32>
    %broadcast_in_dim3A_226 = vector.broadcast %jit3A_224 : f32 to vector<256x512xf32>
    %select_n3A_227 = arith.select %eq3A_222, %broadcast_in_dim3A_225, %broadcast_in_dim3A_226 : vector<256x512xi1>, vector<256x512xf32>
    %min3A_228 = arith.minimumf %min3A_215, %select_n3A_227 : vector<256x512xf32>
    %get3A_229 = arith.constant 0 : index
    %get3A_230 = arith.constant 7 : index
    %get3A_231 = arith.constant 0 : index
    %get3A_232 = arith.constant 0 : index
    %get3A_233 = vector.load %arg2[%get3A_229, %get3A_230, %get3A_231, %get3A_232] : memref<1x21x256x512xf32, #tpu.memory_space<vmem>>, vector<1x1x256x512xf32>
    %get3A_234 = vector.shape_cast %get3A_233 : vector<1x1x256x512xf32> to vector<256x512xf32>
    %eq3A_235 = arith.cmpf oeq, %get3A_234, %max3A_143 : vector<256x512xf32>
    %jit3A_236 = arith.constant 7.000000e+00 : f32
    %jit3A_237 = arith.constant 2.100000e+01 : f32
    %broadcast_in_dim3A_238 = vector.broadcast %jit3A_236 : f32 to vector<256x512xf32>
    %broadcast_in_dim3A_239 = vector.broadcast %jit3A_237 : f32 to vector<256x512xf32>
    %select_n3A_240 = arith.select %eq3A_235, %broadcast_in_dim3A_238, %broadcast_in_dim3A_239 : vector<256x512xi1>, vector<256x512xf32>
    %min3A_241 = arith.minimumf %min3A_228, %select_n3A_240 : vector<256x512xf32>
    %get3A_242 = arith.constant 0 : index
    %get3A_243 = arith.constant 8 : index
    %get3A_244 = arith.constant 0 : index
    %get3A_245 = arith.constant 0 : index
    %get3A_246 = vector.load %arg2[%get3A_242, %get3A_243, %get3A_244, %get3A_245] : memref<1x21x256x512xf32, #tpu.memory_space<vmem>>, vector<1x1x256x512xf32>
    %get3A_247 = vector.shape_cast %get3A_246 : vector<1x1x256x512xf32> to vector<256x512xf32>
    %eq3A_248 = arith.cmpf oeq, %get3A_247, %max3A_143 : vector<256x512xf32>
    %jit3A_249 = arith.constant 8.000000e+00 : f32
    %jit3A_250 = arith.constant 2.100000e+01 : f32
    %broadcast_in_dim3A_251 = vector.broadcast %jit3A_249 : f32 to vector<256x512xf32>
    %broadcast_in_dim3A_252 = vector.broadcast %jit3A_250 : f32 to vector<256x512xf32>
    %select_n3A_253 = arith.select %eq3A_248, %broadcast_in_dim3A_251, %broadcast_in_dim3A_252 : vector<256x512xi1>, vector<256x512xf32>
    %min3A_254 = arith.minimumf %min3A_241, %select_n3A_253 : vector<256x512xf32>
    %get3A_255 = arith.constant 0 : index
    %get3A_256 = arith.constant 9 : index
    %get3A_257 = arith.constant 0 : index
    %get3A_258 = arith.constant 0 : index
    %get3A_259 = vector.load %arg2[%get3A_255, %get3A_256, %get3A_257, %get3A_258] : memref<1x21x256x512xf32, #tpu.memory_space<vmem>>, vector<1x1x256x512xf32>
    %get3A_260 = vector.shape_cast %get3A_259 : vector<1x1x256x512xf32> to vector<256x512xf32>
    %eq3A_261 = arith.cmpf oeq, %get3A_260, %max3A_143 : vector<256x512xf32>
    %jit3A_262 = arith.constant 9.000000e+00 : f32
    %jit3A_263 = arith.constant 2.100000e+01 : f32
    %broadcast_in_dim3A_264 = vector.broadcast %jit3A_262 : f32 to vector<256x512xf32>
    %broadcast_in_dim3A_265 = vector.broadcast %jit3A_263 : f32 to vector<256x512xf32>
    %select_n3A_266 = arith.select %eq3A_261, %broadcast_in_dim3A_264, %broadcast_in_dim3A_265 : vector<256x512xi1>, vector<256x512xf32>
    %min3A_267 = arith.minimumf %min3A_254, %select_n3A_266 : vector<256x512xf32>
    %get3A_268 = arith.constant 0 : index
    %get3A_269 = arith.constant 10 : index
    %get3A_270 = arith.constant 0 : index
    %get3A_271 = arith.constant 0 : index
    %get3A_272 = vector.load %arg2[%get3A_268, %get3A_269, %get3A_270, %get3A_271] : memref<1x21x256x512xf32, #tpu.memory_space<vmem>>, vector<1x1x256x512xf32>
    %get3A_273 = vector.shape_cast %get3A_272 : vector<1x1x256x512xf32> to vector<256x512xf32>
    %eq3A_274 = arith.cmpf oeq, %get3A_273, %max3A_143 : vector<256x512xf32>
    %jit3A_275 = arith.constant 1.000000e+01 : f32
    %jit3A_276 = arith.constant 2.100000e+01 : f32
    %broadcast_in_dim3A_277 = vector.broadcast %jit3A_275 : f32 to vector<256x512xf32>
    %broadcast_in_dim3A_278 = vector.broadcast %jit3A_276 : f32 to vector<256x512xf32>
    %select_n3A_279 = arith.select %eq3A_274, %broadcast_in_dim3A_277, %broadcast_in_dim3A_278 : vector<256x512xi1>, vector<256x512xf32>
    %min3A_280 = arith.minimumf %min3A_267, %select_n3A_279 : vector<256x512xf32>
    %get3A_281 = arith.constant 0 : index
    %get3A_282 = arith.constant 11 : index
    %get3A_283 = arith.constant 0 : index
    %get3A_284 = arith.constant 0 : index
    %get3A_285 = vector.load %arg2[%get3A_281, %get3A_282, %get3A_283, %get3A_284] : memref<1x21x256x512xf32, #tpu.memory_space<vmem>>, vector<1x1x256x512xf32>
    %get3A_286 = vector.shape_cast %get3A_285 : vector<1x1x256x512xf32> to vector<256x512xf32>
    %eq3A_287 = arith.cmpf oeq, %get3A_286, %max3A_143 : vector<256x512xf32>
    %jit3A_288 = arith.constant 1.100000e+01 : f32
    %jit3A_289 = arith.constant 2.100000e+01 : f32
    %broadcast_in_dim3A_290 = vector.broadcast %jit3A_288 : f32 to vector<256x512xf32>
    %broadcast_in_dim3A_291 = vector.broadcast %jit3A_289 : f32 to vector<256x512xf32>
    %select_n3A_292 = arith.select %eq3A_287, %broadcast_in_dim3A_290, %broadcast_in_dim3A_291 : vector<256x512xi1>, vector<256x512xf32>
    %min3A_293 = arith.minimumf %min3A_280, %select_n3A_292 : vector<256x512xf32>
    %get3A_294 = arith.constant 0 : index
    %get3A_295 = arith.constant 12 : index
    %get3A_296 = arith.constant 0 : index
    %get3A_297 = arith.constant 0 : index
    %get3A_298 = vector.load %arg2[%get3A_294, %get3A_295, %get3A_296, %get3A_297] : memref<1x21x256x512xf32, #tpu.memory_space<vmem>>, vector<1x1x256x512xf32>
    %get3A_299 = vector.shape_cast %get3A_298 : vector<1x1x256x512xf32> to vector<256x512xf32>
    %eq3A_300 = arith.cmpf oeq, %get3A_299, %max3A_143 : vector<256x512xf32>
    %jit3A_301 = arith.constant 1.200000e+01 : f32
    %jit3A_302 = arith.constant 2.100000e+01 : f32
    %broadcast_in_dim3A_303 = vector.broadcast %jit3A_301 : f32 to vector<256x512xf32>
    %broadcast_in_dim3A_304 = vector.broadcast %jit3A_302 : f32 to vector<256x512xf32>
    %select_n3A_305 = arith.select %eq3A_300, %broadcast_in_dim3A_303, %broadcast_in_dim3A_304 : vector<256x512xi1>, vector<256x512xf32>
    %min3A_306 = arith.minimumf %min3A_293, %select_n3A_305 : vector<256x512xf32>
    %get3A_307 = arith.constant 0 : index
    %get3A_308 = arith.constant 13 : index
    %get3A_309 = arith.constant 0 : index
    %get3A_310 = arith.constant 0 : index
    %get3A_311 = vector.load %arg2[%get3A_307, %get3A_308, %get3A_309, %get3A_310] : memref<1x21x256x512xf32, #tpu.memory_space<vmem>>, vector<1x1x256x512xf32>
    %get3A_312 = vector.shape_cast %get3A_311 : vector<1x1x256x512xf32> to vector<256x512xf32>
    %eq3A_313 = arith.cmpf oeq, %get3A_312, %max3A_143 : vector<256x512xf32>
    %jit3A_314 = arith.constant 1.300000e+01 : f32
    %jit3A_315 = arith.constant 2.100000e+01 : f32
    %broadcast_in_dim3A_316 = vector.broadcast %jit3A_314 : f32 to vector<256x512xf32>
    %broadcast_in_dim3A_317 = vector.broadcast %jit3A_315 : f32 to vector<256x512xf32>
    %select_n3A_318 = arith.select %eq3A_313, %broadcast_in_dim3A_316, %broadcast_in_dim3A_317 : vector<256x512xi1>, vector<256x512xf32>
    %min3A_319 = arith.minimumf %min3A_306, %select_n3A_318 : vector<256x512xf32>
    %get3A_320 = arith.constant 0 : index
    %get3A_321 = arith.constant 14 : index
    %get3A_322 = arith.constant 0 : index
    %get3A_323 = arith.constant 0 : index
    %get3A_324 = vector.load %arg2[%get3A_320, %get3A_321, %get3A_322, %get3A_323] : memref<1x21x256x512xf32, #tpu.memory_space<vmem>>, vector<1x1x256x512xf32>
    %get3A_325 = vector.shape_cast %get3A_324 : vector<1x1x256x512xf32> to vector<256x512xf32>
    %eq3A_326 = arith.cmpf oeq, %get3A_325, %max3A_143 : vector<256x512xf32>
    %jit3A_327 = arith.constant 1.400000e+01 : f32
    %jit3A_328 = arith.constant 2.100000e+01 : f32
    %broadcast_in_dim3A_329 = vector.broadcast %jit3A_327 : f32 to vector<256x512xf32>
    %broadcast_in_dim3A_330 = vector.broadcast %jit3A_328 : f32 to vector<256x512xf32>
    %select_n3A_331 = arith.select %eq3A_326, %broadcast_in_dim3A_329, %broadcast_in_dim3A_330 : vector<256x512xi1>, vector<256x512xf32>
    %min3A_332 = arith.minimumf %min3A_319, %select_n3A_331 : vector<256x512xf32>
    %get3A_333 = arith.constant 0 : index
    %get3A_334 = arith.constant 15 : index
    %get3A_335 = arith.constant 0 : index
    %get3A_336 = arith.constant 0 : index
    %get3A_337 = vector.load %arg2[%get3A_333, %get3A_334, %get3A_335, %get3A_336] : memref<1x21x256x512xf32, #tpu.memory_space<vmem>>, vector<1x1x256x512xf32>
    %get3A_338 = vector.shape_cast %get3A_337 : vector<1x1x256x512xf32> to vector<256x512xf32>
    %eq3A_339 = arith.cmpf oeq, %get3A_338, %max3A_143 : vector<256x512xf32>
    %jit3A_340 = arith.constant 1.500000e+01 : f32
    %jit3A_341 = arith.constant 2.100000e+01 : f32
    %broadcast_in_dim3A_342 = vector.broadcast %jit3A_340 : f32 to vector<256x512xf32>
    %broadcast_in_dim3A_343 = vector.broadcast %jit3A_341 : f32 to vector<256x512xf32>
    %select_n3A_344 = arith.select %eq3A_339, %broadcast_in_dim3A_342, %broadcast_in_dim3A_343 : vector<256x512xi1>, vector<256x512xf32>
    %min3A_345 = arith.minimumf %min3A_332, %select_n3A_344 : vector<256x512xf32>
    %get3A_346 = arith.constant 0 : index
    %get3A_347 = arith.constant 16 : index
    %get3A_348 = arith.constant 0 : index
    %get3A_349 = arith.constant 0 : index
    %get3A_350 = vector.load %arg2[%get3A_346, %get3A_347, %get3A_348, %get3A_349] : memref<1x21x256x512xf32, #tpu.memory_space<vmem>>, vector<1x1x256x512xf32>
    %get3A_351 = vector.shape_cast %get3A_350 : vector<1x1x256x512xf32> to vector<256x512xf32>
    %eq3A_352 = arith.cmpf oeq, %get3A_351, %max3A_143 : vector<256x512xf32>
    %jit3A_353 = arith.constant 1.600000e+01 : f32
    %jit3A_354 = arith.constant 2.100000e+01 : f32
    %broadcast_in_dim3A_355 = vector.broadcast %jit3A_353 : f32 to vector<256x512xf32>
    %broadcast_in_dim3A_356 = vector.broadcast %jit3A_354 : f32 to vector<256x512xf32>
    %select_n3A_357 = arith.select %eq3A_352, %broadcast_in_dim3A_355, %broadcast_in_dim3A_356 : vector<256x512xi1>, vector<256x512xf32>
    %min3A_358 = arith.minimumf %min3A_345, %select_n3A_357 : vector<256x512xf32>
    %get3A_359 = arith.constant 0 : index
    %get3A_360 = arith.constant 17 : index
    %get3A_361 = arith.constant 0 : index
    %get3A_362 = arith.constant 0 : index
    %get3A_363 = vector.load %arg2[%get3A_359, %get3A_360, %get3A_361, %get3A_362] : memref<1x21x256x512xf32, #tpu.memory_space<vmem>>, vector<1x1x256x512xf32>
    %get3A_364 = vector.shape_cast %get3A_363 : vector<1x1x256x512xf32> to vector<256x512xf32>
    %eq3A_365 = arith.cmpf oeq, %get3A_364, %max3A_143 : vector<256x512xf32>
    %jit3A_366 = arith.constant 1.700000e+01 : f32
    %jit3A_367 = arith.constant 2.100000e+01 : f32
    %broadcast_in_dim3A_368 = vector.broadcast %jit3A_366 : f32 to vector<256x512xf32>
    %broadcast_in_dim3A_369 = vector.broadcast %jit3A_367 : f32 to vector<256x512xf32>
    %select_n3A_370 = arith.select %eq3A_365, %broadcast_in_dim3A_368, %broadcast_in_dim3A_369 : vector<256x512xi1>, vector<256x512xf32>
    %min3A_371 = arith.minimumf %min3A_358, %select_n3A_370 : vector<256x512xf32>
    %get3A_372 = arith.constant 0 : index
    %get3A_373 = arith.constant 18 : index
    %get3A_374 = arith.constant 0 : index
    %get3A_375 = arith.constant 0 : index
    %get3A_376 = vector.load %arg2[%get3A_372, %get3A_373, %get3A_374, %get3A_375] : memref<1x21x256x512xf32, #tpu.memory_space<vmem>>, vector<1x1x256x512xf32>
    %get3A_377 = vector.shape_cast %get3A_376 : vector<1x1x256x512xf32> to vector<256x512xf32>
    %eq3A_378 = arith.cmpf oeq, %get3A_377, %max3A_143 : vector<256x512xf32>
    %jit3A_379 = arith.constant 1.800000e+01 : f32
    %jit3A_380 = arith.constant 2.100000e+01 : f32
    %broadcast_in_dim3A_381 = vector.broadcast %jit3A_379 : f32 to vector<256x512xf32>
    %broadcast_in_dim3A_382 = vector.broadcast %jit3A_380 : f32 to vector<256x512xf32>
    %select_n3A_383 = arith.select %eq3A_378, %broadcast_in_dim3A_381, %broadcast_in_dim3A_382 : vector<256x512xi1>, vector<256x512xf32>
    %min3A_384 = arith.minimumf %min3A_371, %select_n3A_383 : vector<256x512xf32>
    %get3A_385 = arith.constant 0 : index
    %get3A_386 = arith.constant 19 : index
    %get3A_387 = arith.constant 0 : index
    %get3A_388 = arith.constant 0 : index
    %get3A_389 = vector.load %arg2[%get3A_385, %get3A_386, %get3A_387, %get3A_388] : memref<1x21x256x512xf32, #tpu.memory_space<vmem>>, vector<1x1x256x512xf32>
    %get3A_390 = vector.shape_cast %get3A_389 : vector<1x1x256x512xf32> to vector<256x512xf32>
    %eq3A_391 = arith.cmpf oeq, %get3A_390, %max3A_143 : vector<256x512xf32>
    %jit3A_392 = arith.constant 1.900000e+01 : f32
    %jit3A_393 = arith.constant 2.100000e+01 : f32
    %broadcast_in_dim3A_394 = vector.broadcast %jit3A_392 : f32 to vector<256x512xf32>
    %broadcast_in_dim3A_395 = vector.broadcast %jit3A_393 : f32 to vector<256x512xf32>
    %select_n3A_396 = arith.select %eq3A_391, %broadcast_in_dim3A_394, %broadcast_in_dim3A_395 : vector<256x512xi1>, vector<256x512xf32>
    %min3A_397 = arith.minimumf %min3A_384, %select_n3A_396 : vector<256x512xf32>
    %get3A_398 = arith.constant 0 : index
    %get3A_399 = arith.constant 20 : index
    %get3A_400 = arith.constant 0 : index
    %get3A_401 = arith.constant 0 : index
    %get3A_402 = vector.load %arg2[%get3A_398, %get3A_399, %get3A_400, %get3A_401] : memref<1x21x256x512xf32, #tpu.memory_space<vmem>>, vector<1x1x256x512xf32>
    %get3A_403 = vector.shape_cast %get3A_402 : vector<1x1x256x512xf32> to vector<256x512xf32>
    %eq3A_404 = arith.cmpf oeq, %get3A_403, %max3A_143 : vector<256x512xf32>
    %jit3A_405 = arith.constant 2.000000e+01 : f32
    %jit3A_406 = arith.constant 2.100000e+01 : f32
    %broadcast_in_dim3A_407 = vector.broadcast %jit3A_405 : f32 to vector<256x512xf32>
    %broadcast_in_dim3A_408 = vector.broadcast %jit3A_406 : f32 to vector<256x512xf32>
    %select_n3A_409 = arith.select %eq3A_404, %broadcast_in_dim3A_407, %broadcast_in_dim3A_408 : vector<256x512xi1>, vector<256x512xf32>
    %min3A_410 = arith.minimumf %min3A_397, %select_n3A_409 : vector<256x512xf32>
    %get3A_411 = arith.constant 0 : index
    %get3A_412 = arith.constant 0 : index
    %get3A_413 = arith.constant 0 : index
    %get3A_414 = vector.load %arg3[%get3A_411, %get3A_412, %get3A_413] : memref<1x256x512xi32, #tpu.memory_space<vmem>>, vector<1x256x512xi32>
    %get3A_415 = vector.shape_cast %get3A_414 : vector<1x256x512xi32> to vector<256x512xi32>
    %mul3A = arith.constant 21 : i32
    %mul3A_416 = vector.broadcast %mul3A : i32 to vector<256x512xi32>
    %mul3A_417 = arith.muli %get3A_415, %mul3A_416 : vector<256x512xi32>
    %convert_element_type3A = arith.fptosi %min3A_410 : vector<256x512xf32> to vector<256x512xi32>
    %add3A = arith.addi %mul3A_417, %convert_element_type3A : vector<256x512xi32>
    %slice3A = vector.extract_strided_slice %add3A {offsets = [0, 0], sizes = [128, 512], strides = [1, 1]} : vector<256x512xi32> to vector<128x512xi32>
    %slice3A_418 = vector.extract_strided_slice %add3A {offsets = [128, 0], sizes = [128, 512], strides = [1, 1]} : vector<256x512xi32> to vector<128x512xi32>
    %shift_left3A = arith.constant 16 : i32
    %shift_left3A_419 = vector.broadcast %shift_left3A : i32 to vector<128x512xi32>
    %shift_left3A_420 = arith.shli %slice3A_418, %shift_left3A_419 : vector<128x512xi32>
    %or3A = arith.ori %slice3A, %shift_left3A_420 : vector<128x512xi32>
    %swap3A = arith.constant 0 : index
    %swap3A_421 = arith.constant 0 : index
    %swap3A_422 = arith.constant 0 : index
    %swap3A_423 = vector.load %arg4[%swap3A, %swap3A_421, %swap3A_422] : memref<1x128x512xi32, #tpu.memory_space<vmem>>, vector<1x128x512xi32>
    %swap3A_424 = vector.shape_cast %swap3A_423 : vector<1x128x512xi32> to vector<128x512xi32>
    %swap3A_425 = vector.shape_cast %or3A : vector<128x512xi32> to vector<1x128x512xi32>
    tpu.vector_store %arg4[%swap3A, %swap3A_421, %swap3A_422], %swap3A_425 {strides = array<i32>} : memref<1x128x512xi32, #tpu.memory_space<vmem>>, vector<1x128x512xi32>,
    return
  }
  func.func @transform_0(%arg0: i32, %arg1: i32) -> (i32, i32, i32, i32) {
    %c0_i32 = arith.constant 0 : i32
    %c0_i32_0 = arith.constant 0 : i32
    %c0_i32_1 = arith.constant 0 : i32
    return %arg0, %c0_i32, %arg1, %c0_i32_0 : i32, i32, i32, i32
  }
  func.func @transform_1(%arg0: i32, %arg1: i32) -> (i32, i32, i32) {
    %c0_i32 = arith.constant 0 : i32
    %c0_i32_0 = arith.constant 0 : i32
    return %arg0, %arg1, %c0_i32 : i32, i32, i32
  }
  func.func @transform_2(%arg0: i32, %arg1: i32) -> (i32, i32, i32) {
    %c0_i32 = arith.constant 0 : i32
    %c0_i32_0 = arith.constant 0 : i32
    return %arg0, %arg1, %c0_i32 : i32, i32, i32
  }
}

</mosaic_0001>

<sc_bundles>
// kernel: kernel.4.cloned.1.call-start
scs
__scs_entry_jumppad:
0x0: {  	(pc) =	sbr.rel $0x88, $3  }
0x1: {  	(tag) =	ssettag $0x0;
	lr =	simm.s32 $0x1  }
0x2: {  	[smem:$0x3F9E] =	sst lr;
	_ =	strace $0xD0000000  }
0x3: {  	_ = 	snop  }
0x4: {  	_ = 	snop  }
0x5: {  	_ = 	snop  }
0x6: {  	_ = 	snop  }
0x7: {  	_ = 	snop  }
__scs_overlays_trampoline_lowered:
0x8: {  	[smem:$0x3FAD] =	sst s0  }
0x9: {  	[smem:$0x3FAE] =	sst s1  }
0xa: {  	[smem:$0x3FAF] =	sst s2  }
0xb: {  	[smem:$0x3FB0] =	sst s3  }
0xc: {  	[smem:$0x3FB1] =	sst s4  }
0xd: {  	[smem:$0x3FB2] =	sst s5  }
0xe: {  	[smem:$0x3FB3] =	sst s6  }
0xf: {  	[smem:$0x3FB4] =	sst s7  }
0x10: {  	[smem:$0x3FB5] =	sst s8  }
0x11: {  	[smem:$0x3FB6] =	sst s9;
	s0 =	simm.s32 @!p0 $0x0  }
0x12: {  	s1 =	sld [smem:$0x3F9C];
	s0 =	simm.s32 @p0 $0x1  }
0x13: {  	[smem:$0x3FB7] =	sst s0;
	s0 =	simm.s32 @!p1 $0x0  }
0x14: {  	s2 =	sld [smem:$0x3F9B];
	s0 =	simm.s32 @p1 $0x1  }
0x15: {  	[smem:$0x3FB8] =	sst s0;
	s0 =	simm.s32 @!p2 $0x0  }
0x16: {  	s3 =	sld [smem:$0x3FDB];
	s0 =	simm.s32 @p2 $0x1  }
0x17: {  	s4 =	simm.s32 $0x1BF5;
	[smem:$0x3FBA] =	sst s0  }
0x18: {  	s0 =	sld [smem:$0x3F9D];
	_ =	swait.ge [sflag:s4], $0x0  }
0x19: {  	s7 =	sld [smem:$0x3F9E]  }
0x1a: {  	s8 =	sadd.s32 $0xFFFFE003, lr  }
0x1b: {  	s9 =	sadd.s32 $0xFFFFFEF7, lr;
	s5 =	simm.s32 $0xFFFFFFFF;
	p2 =	slt.u32 s8, $0xFFFFF086  }
0x1c: {  	p1 =	slt.u32 s9, $0xF7A;
	s5 =	simm.s32 @!p2 $0x0  }
0x1d: {  	s5 =	simm.s32 @p1 $0x1;
	p0 =	seq.s32 s7, s2  }
0x1e: {  	s7 =	smul.u32 @!p0 $0xF7A, s2;
	p2 =	seq.s32 @!p0 s5, $0x0  }
0x1f: {  	s9 =	smul.u32 $0xF7A, s1;
	s8 =	simm.s32 @!p0 $0x1BF5;
	p2 =	por !p2, p0  }
0x20: {  	[sflag:s8] =	ssyncset.s32 @!p0 $0xFFFFF086;
	s6 =	sadd.s32 @!p0 s3, s7;
	s7 =	simm.s32 @!p0 $0x108  }
0x21: {  	s3 =	sadd.s32 s3, s9;
	s6 =	sadd.s32 @!p0 $0x88, s6;
	s7 =	simm.s32 @p2 $0x1082  }
0x22: {  	[simem:s7], [sflag:s8] =	dma.local @!p0 [hbm:s6], $0xF7A  }
0x23: {  	s9 =	sor.u32 $0xD0000000, s2;
	s6 =	simm.s32 $0x108;
	_ =	swait.ge @!p0 [sflag:s8], $0x0  }
0x24: {  	s3 =	sadd.s32 $0x88, s3;
	s6 =	simm.s32 @!p1 $0x1082;
	[sflag:s4] =	ssyncset.s32 $0xFFFFF086  }
0x25: {  	[simem:s6], [sflag:s4] =	dma.local [hbm:s3], $0xF7A  }
0x26: {  	[smem:$0x3F9E] =	sst s1;
	(tag) =	ssettag s2;
	_ =	strace s9  }
0x27: {  	s1 =	sld [smem:$0x3FAE]  }
0x28: {  	s2 =	sld [smem:$0x3FAF]  }
0x29: {  	s4 =	sld [smem:$0x3FB1]  }
0x2a: {  	p0 =	seq.s32 s5, $0x0;
	s5 =	sld [smem:$0x3FB2]  }
0x2b: {  	s6 =	sld [smem:$0x3FB3]  }
0x2c: {  	s7 =	sld [smem:$0x3FB4]  }
0x2d: {  	s3 =	simm.s32 $0x108;
	s8 =	sld [smem:$0x3FB5]  }
0x2e: {  	s3 =	simm.s32 @!p0 $0x1082;
	s9 =	sld [smem:$0x3FB6]  }
0x2f: {  	lr =	sadd.s32 s0, s3;
	s0 =	sld [smem:$0x3FAD]  }
0x30: {  	s3 =	sld [smem:$0x3FB0]  }
0x31: {  	[smem:$0x3FB9] =	sst s10  }
0x32: {  	s10 =	sld [smem:$0x3FB7];
	_ =	sdelay $0x3  }
0x33: {  	p0 =	seq.s32 s10, $0x1;
	s10 =	sld [smem:$0x3FB9];
	_ =	sdelay $0x3  }
0x34: {  	[smem:$0x3FB9] =	sst s10  }
0x35: {  	s10 =	sld [smem:$0x3FB8];
	_ =	sdelay $0x3  }
0x36: {  	p1 =	seq.s32 s10, $0x1;
	s10 =	sld [smem:$0x3FB9];
	_ =	sdelay $0x3  }
0x37: {  	[smem:$0x3FB9] =	sst s10  }
0x38: {  	s10 =	sld [smem:$0x3FBA]  }
0x39: {  	_ = 	snop;
	(pc) =	sbr.ind lr, $3  }
0x3a: {  	_ = 	snop  }
0x3b: {  	_ = 	snop  }
0x3c: {  	p2 =	seq.s32 s10, $0x1;
	s10 =	sld [smem:$0x3FB9]  }
0x3d: {  	_ =	shalt  }
0x3e: {  	_ =	shalt  }
0x3f: {  	_ =	shalt  }
0x40: {  	_ =	shalt  }
0x41: {  	_ =	shalt  }
0x42: {  	_ =	shalt  }
0x43: {  	_ =	shalt  }
0x44: {  	_ =	shalt  }
0x45: {  	_ =	shalt  }
0x46: {  	_ =	shalt  }
0x47: {  	_ =	shalt  }
0x48: {  	_ =	shalt  }
0x49: {  	_ =	shalt  }
0x4a: {  	_ =	shalt  }
0x4b: {  	_ =	shalt  }
0x4c: {  	_ =	shalt  }
0x4d: {  	_ =	shalt  }
0x4e: {  	_ =	shalt  }
0x4f: {  	_ =	shalt  }
0x50: {  	_ =	shalt  }
0x51: {  	_ =	shalt  }
0x52: {  	_ =	shalt  }
0x53: {  	_ =	shalt  }
0x54: {  	_ =	shalt  }
0x55: {  	_ =	shalt  }
0x56: {  	_ =	shalt  }
0x57: {  	_ =	shalt  }
0x58: {  	_ =	shalt  }
0x59: {  	_ =	shalt  }
0x5a: {  	_ =	shalt  }
0x5b: {  	_ =	shalt  }
0x5c: {  	_ =	shalt  }
0x5d: {  	_ =	shalt  }
0x5e: {  	_ =	shalt  }
0x5f: {  	_ =	shalt  }
0x60: {  	_ =	shalt  }
0x61: {  	_ =	shalt  }
0x62: {  	_ =	shalt  }
0x63: {  	_ =	shalt  }
0x64: {  	_ =	shalt  }
0x65: {  	_ =	shalt  }
0x66: {  	_ =	shalt  }
0x67: {  	_ =	shalt  }
0x68: {  	_ =	shalt  }
0x69: {  	_ =	shalt  }
0x6a: {  	_ =	shalt  }
0x6b: {  	_ =	shalt  }
0x6c: {  	_ =	shalt  }
0x6d: {  	_ =	shalt  }
0x6e: {  	_ =	shalt  }
0x6f: {  	_ =	shalt  }
0x70: {  	_ =	shalt  }
0x71: {  	_ =	shalt  }
0x72: {  	_ =	shalt  }
0x73: {  	_ =	shalt  }
0x74: {  	_ =	shalt  }
0x75: {  	_ =	shalt  }
0x76: {  	_ =	shalt  }
0x77: {  	_ =	shalt  }
0x78: {  	_ =	shalt  }
0x79: {  	_ =	shalt  }
0x7a: {  	_ =	shalt  }
0x7b: {  	_ =	shalt  }
0x7c: {  	_ =	shalt  }
0x7d: {  	_ =	shalt  }
0x7e: {  	_ =	shalt  }
0x7f: {  	_ =	shalt  }
0x80: {  	_ =	shalt  }
0x81: {  	_ =	shalt  }
0x82: {  	_ =	shalt  }
0x83: {  	_ =	shalt  }
0x84: {  	_ =	shalt  }
0x85: {  	_ =	shalt  }
0x86: {  	_ =	shalt  }
0x87: {  	_ =	shalt  }
.Lfunc_end0:
.L_simem_size_0:
called_computation_lowered:
.L_overlay_start_0:
0x88: {  	s2 =	sld [smem:$0x3FD9]  }
0x89: {  	s3 =	sld [smem:$0x3FFE];
	_ =	sdelay $0x1  }
0x8a: {  	s1 =	srdreg.scid  }
0x8b: {  	s0 =	sand.u32 $0x1, s1  }
0x8c: {  	s16 =	sshll.u32 s0, $0xA;
	s2 =	sadd.s32 s3, s2  }
0x8d: {  	s2 =	sadd.s32 s2, s16  }
0x8e: {  	[smem:$0x3FC5] =	sst s2  }
0x8f: {  	_ = 	snop  }
0x90: {  	(tm) =	ssettm $0x1  }
0x91: {  	s17 =	sld [smem:$0x3FFB];
	_ =	sdelay $0x3  }
0x92: {  	_ =	strace s17  }
0x93: {  	s2 =	sld [smem:$0x3FFC];
	_ =	sdelay $0x3  }
0x94: {  	_ =	strace s2  }
0x95: {  	s2 =	sld [smem:$0x3FFD];
	_ =	sdelay $0x3  }
0x96: {  	_ =	strace s2  }
0x97: {  	_ =	strace $0x8FFFFFFF  }
0x98: {  	s18 =	sld [smem:$0x3FDB];
	_ =	sdelay $0x1  }
0x99: {  	s19 =	simm.s32 $_scs_section_size  }
0x9a: {  	s4 =	simm.s32 $_size__tile_overlayer_lowered;
	s5 =	simm.s32 $_tile_overlayer_lowered  }
0x9b: {  	s22 =	simm.s32 $0x1BFF;
	s21 =	sshll.u32 s5, $0x1;
	s2 =	sadd.s32 s19, s18  }
0x9c: {  	s6 =	simm.s32 $0x0;
	s20 =	sshll.u32 s4, $0x1;
	s4 =	sadd.s32 s21, s2  }
0x9d: {  	[timem:s6], [sflag:s22] =	dma.local [hbm:s4], s20  }
0x9e: {  	_ =	swait.ge [sflag:s22], s20  }
0x9f: {  	s3 =	ssub.s32 $0x0, s20;
	[sflag:s22] =	ssyncset.done $0x0  }
0xa0: {  	[sflag:s22] =	ssyncadd.s32 s3;
	_ =	sdelay $0x1  }
0xa1: {  	s23 =	simm.s32 $0x1B8B  }
0xa2: {  	_ =	swait.ge [sflag:s23], $0x1  }
0xa3: {  	[sflag:s23] =	ssyncset.done $0x0  }
0xa4: {  	s25 =	simm.s32 $0x1B8E;
	s24 =	sld [smem:$0x3FFE];
	[sflag:s23] =	ssyncadd.s32 $0xFFFFFFFF  }
0xa5: {  	s26 =	simm.s32 $execute0_lowered;
	[smem:$0x3FD2] =	sst s25  }
0xa6: {  	s4 =	sshll.u32 s26, $0x1;
	_ =	strace $0x80000046;
	[dreg:$0x1] =	wrdreg $0xFFFFFFFF  }
0xa7: {  	s28 =	simm.s32 $_size_execute0_lowered;
	s2 =	sadd.s32 s2, s4;
	[dreg:$0x0] =	wrdreg $0x0  }
0xa8: {  	s4 =	sshll.u32 s28, $0x1;
	[dreg:$0x2] =	wrdreg s2  }
0xa9: {  	[dreg:$0x3] =	wrdreg s4  }
0xaa: {  	[dreg:$0x4] =	wrdreg $0xC0  }
0xab: {  	_ =	task [dreg:s6], $0x5FFFF  }
0xac: {  	[dreg:$0x1] =	wrdreg $0xFFFFFFFF  }
0xad: {  	[dreg:$0x0] =	wrdreg $0x60  }
0xae: {  	[dreg:$0x2] =	wrdreg s24  }
0xaf: {  	[dreg:$0x3] =	wrdreg $0x9  }
0xb0: {  	_ =	task.clear_ibuf [dreg:s6], $0x4FFFF;
	_ =	strace $0x90000046  }
0xb1: {  	s29 =	simm.s32 $0x9;
	_ =	strace $0x80000048  }
0xb2: {  	_ =	swait.ge [sflag:s29], $0x1  }
0xb3: {  	[sflag:s29] =	ssyncadd.s32 $0xFFFFFFFF  }
0xb4: {  	_ =	strace $0x90000048  }
0xb5: {  	_ =	sfence  }
0xb6: {  	s30 =	sld [smem:$0x0];
	_ =	sdelay $0x2  }
0xb7: {  	s31 =	sshll.u32 s1, $0xD;
	s1 =	sshrl.u32 s1, $0x2  }
0xb8: {  	s3 =	sand.u32 $0x4000, s31;
	s1 =	sadd.s32 s1, s30  }
0xb9: {  	s0 =	sor.u32 s3, s0;
	s1 =	sshll.u32 s1, $0x11  }
0xba: {  	s0 =	sor.u32 s1, s0  }
0xbb: {  	s0 =	sadd.s32 $0x8F2B, s0  }
0xbc: {  	[sflag:s0] =	ssyncadd.remote.s32 $0x1  }
0xbd: {  	_ =	sfence.sel $0xFFFF  }
0xbe: {  	[dreg:$0x0] =	wrdreg $0xFFFFFFFF;
	(pc) =	sbr.abs _section_cstart, $3  }
0xbf: {  	[dreg:$0x1] =	wrdreg $0xFFFFFFFF  }
0xc0: {  	_ =	task.clear_ibuf [dreg:s6], $0x2FFFF;
	_ =	strace $0x9FFFFFFF  }
0xc1: {  	(tm) =	ssettm $0x7FFFFFFF  }
tec
execute0_lowered:
.L_overlay_start_1:
0x0: {  	(tag) =	ssettag $0x1  }
0x1: {  	s4 =	rddreg [dreg:$0x0]  }
0x2: {  	s0 =	rddreg [dreg:$0x1];
	s3 =	srdreg.scid  }
0x3: {  	s1 =	stileid.u32;
	s2 =	simm.s32 $0x0;
	s11 =	simm.s32 $0x3  }
0x4: {  	s12 =	simm.s32 $0x1;
	s13 =	simm.s32 $0x2;
	s14 =	simm.s32 $0x2200  }
0x5: {  	s3 =	sand.u32 $0x1, s3;
	s5 =	sshll.u32 s1, $0x1;
	[smem:$0x7FF] =	sst s2  }
0x6: {  	s15 =	simm.s32 $0x0;
	s5 =	sor.u32 s3, s5;
	_ =	strace $0x80000047  }
0x7: {  	s7 =	ssub.s32 $0x2, s3;
	s3 =	sadd.s32 $0x10400, s4;
	s6 =	sshll.u32 s5, $0xB  }
0x8: {  	s5 =	sshll.u32 s5, $0x1;
	s31 =	sshrl.u32 s7, $0x1;
	s8 =	sadd.s32 s6, s4  }
0x9: {  	s9 =	sadd.s32 s5, s4;
	s10 =	ssub.s32 s7, s31;
	s4 =	sadd.s32 $0x400, s8  }
0xa: {  	s5 =	sadd.s32 $0x600, s8;
	s6 =	sadd.s32 $0x800, s8;
	s7 =	sadd.s32 $0xA00, s8  }
0xb: {  	s8 =	sadd.s32 $0x10600, s9;
	s9 =	smax.u32 s10, $0x1;
	s10 =	simm.s32 $0x2000  }
.LBB2_1:
0xc: {  	s16 =	simm.s32 $0x10  }
0xd: {  	s19 =	sadd.s32 $0x0, s4;
	s17 =	simm.s32 $0x100;
	s18 =	simm.s32 $0x0  }
.LBB2_2:
0xe: {  	[tilespmem:s18], [sflag:$0x1] =	stream.linear.gather [hbm4b:s19+s2], $0x80, $0x38;
	[tilespmem:$0x2280] =	vst v63  }
0xf: {  	s19 =	smov.u32 s16;
	s18 =	smov.u32 s17;
	p0 =	sne.s32 s16, $0x1F0  }
.Ltmp0:
0x10: {  	s16 =	sadd.s32 $0x10, s16;
	(pc) =	sbr.rel @p0 .LBB2_2-.Ltmp0, $2  }
0x11: {  	_ =	sdelay $0x2  }
0x12: {  	s17 =	sadd.s32 $0x100, s17;
	s19 =	sadd.s32 s19, s4  }
0x13: {  	[tilespmem:s18], [sflag:$0x1] =	stream.linear.gather [hbm4b:s19+s2], $0x80, $0x38;
	[tilespmem:$0x2280] =	vst v63  }
0x14: {  	s16 =	simm.s32 $0x0  }
0x15: {  	[tilespmem:s10], [sflag:$0x3] =	stream.linear.gather [hbm4b:s3+s16], $0x200, $0x38;
	[tilespmem:$0x2280] =	vst v63  }
0x16: {  	_ =	swait.ge [sflag:s11], $0x200  }
0x17: {  	s17 =	simm.s32 $0x10;
	s19 =	sadd.s32 $0x0, s5;
	[sflag:s11] =	ssyncset.done $0x0  }
0x18: {  	s18 =	simm.s32 $0x180;
	s16 =	simm.s32 $0x80;
	[sflag:s11] =	ssyncadd.s32 $0xFFFFFE00  }
.LBB2_4:
0x19: {  	[tilespmem:s16], [sflag:$0x2] =	stream.linear.gather [hbm4b:s19+s2], $0x80, $0x38;
	[tilespmem:$0x2280] =	vst v63  }
0x1a: {  	s19 =	smov.u32 s17;
	s16 =	smov.u32 s18;
	p0 =	sne.s32 s17, $0x1F0  }
.Ltmp1:
0x1b: {  	s17 =	sadd.s32 $0x10, s17;
	(pc) =	sbr.rel @p0 .LBB2_4-.Ltmp1, $2  }
0x1c: {  	_ =	sdelay $0x2  }
0x1d: {  	s18 =	sadd.s32 $0x100, s18;
	s19 =	sadd.s32 s19, s5  }
0x1e: {  	[tilespmem:s16], [sflag:$0x2] =	stream.linear.gather [hbm4b:s19+s2], $0x80, $0x38;
	[tilespmem:$0x2280] =	vst v63  }
0x1f: {  	s28 =	simm.s32 $0x0;
	_ =	swait.ge [sflag:s12], $0x1000  }
0x20: {  	s17 =	sand.u32 $0x40, s28;
	s16 =	sand.u32 $0x1F00, s28;
	[sflag:s12] =	ssyncset.done $0x0  }
0x21: {  	s16 =	sor.u32 s17, s16;
	[sflag:s12] =	ssyncadd.s32 $0xFFFFF000  }
0x22: {  	v0 =	vld [tilespmem:s16+$0x30]  }
0x23: {  	v1 =	vld [tilespmem:s16+$0x0];
	_ =	sdelay $0x1  }
0x24: {  	s29 =	simm.s32 $0x40;
	s30 =	simm.s32 $0x80;
	v4 =	vld [tilespmem:s16+$0x10]  }
0x25: {  	s17 =	sand.u32 $0x40, s29;
	v5 =	vld [tilespmem:s16+$0x20];
	s16 =	sand.u32 $0x1F00, s30  }
0x26: {  	s16 =	sor.u32 s17, s16;
	v2 =	vshrl.u32 v0, $0x10  }
0x27: {  	v8 =	vld [tilespmem:s16+$0x30];
	v3 =	vand.u32 $0xFFFF, v1  }
0x28: {  	v12 =	vld [tilespmem:s16+$0x0];
	v1 =	vshrl.u32 v1, $0x10  }
0x29: {  	v15 =	vld [tilespmem:s16+$0x10];
	v7 =	vand.u32 $0xFFFF, v4  }
0x2a: {  	v18 =	vld [tilespmem:s16+$0x20];
	v9 =	vshrl.u32 v4, $0x10  }
0x2b: {  	v13 =	vand.u32 $0xFFFF, v5;
	v6 =	vld.idx.msk [tilespmem:v2+s10+$0x0], $0xffff  }
0x2c: {  	v5 =	vshrl.u32 v5, $0x10;
	v3 =	vld.idx.msk [tilespmem:v3+s10+$0x0], $0xffff  }
0x2d: {  	v19 =	vand.u32 $0xFFFF, v0;
	v21 =	vld.idx.msk [tilespmem:v1+s10+$0x0], $0xffff  }
0x2e: {  	v22 =	vshrl.u32 v8, $0x10;
	v10 =	vld.idx.msk [tilespmem:v7+s10+$0x0], $0xffff  }
0x2f: {  	v4 =	vand.u32 $0xFFFF, v8;
	v16 =	vshrl.u32 v12, $0x10;
	v20 =	vand.u32 $0xFFFF, v12;
	v11 =	vld.idx.msk [tilespmem:v9+s10+$0x0], $0xffff  }
0x30: {  	v12 =	vshrl.u32 v15, $0x10;
	v17 =	vand.u32 $0xFFFF, v15;
	v8 =	vimm.f32 $0.0e+00;
	v14 =	vld.idx.msk [tilespmem:v13+s10+$0x0], $0xffff  }
0x31: {  	v2 =	vimm.f32 $0.0e+00;
	v9 =	vshrl.u32 v18, $0x10;
	v15 =	vld.idx.msk [tilespmem:v5+s10+$0x0], $0xffff;
	v13 =	vand.u32 $0xFFFF, v18  }
0x32: {  	s31 =	simm.s32 $0x80;
	s16 =	simm.s32 $0x100;
	v18 =	vld.idx.msk [tilespmem:v19+s10+$0x0], $0xffff;
	v5 =	vimm.f32 $0.0e+00;
	v7 =	vimm.f32 $0.0e+00;
	v0 =	vadd.f32 v6, v2  }
0x33: {  	s18 =	sand.u32 $0x40, s31;
	s17 =	simm.s32 $0xC0;
	s19 =	sand.u32 $0x1F00, s16;
	v19 =	vld.idx.msk [tilespmem:v22+s10+$0x0], $0xffff;
	v1 =	vadd.f32 v3, v2;
	v3 =	vadd.f32 v21, v2;
	v6 =	vimm.f32 $0.0e+00  }
.LBB2_6:
0x34: {  	p0 =	sne.s32 s17, $0xFC0;
	s18 =	sor.u32 s18, s19;
	v20 =	vld.idx.msk [tilespmem:v20+s10+$0x0], $0xffff;
	v2 =	vadd.f32 v10, v2  }
0x35: {  	v5 =	vadd.f32 v11, v5;
	v10 =	vld [tilespmem:s18+$0x30]  }
0x36: {  	v8 =	vadd.f32 v14, v8;
	v11 =	vld [tilespmem:s18+$0x0]  }
0x37: {  	v6 =	vadd.f32 v15, v6;
	v14 =	vld [tilespmem:s18+$0x10]  }
0x38: {  	v7 =	vadd.f32 v18, v7;
	v21 =	vld [tilespmem:s18+$0x20]  }
0x39: {  	v0 =	vadd.f32 v19, v0;
	v22 =	vld.idx.msk [tilespmem:v16+s10+$0x0], $0xffff  }
0x3a: {  	v1 =	vadd.f32 v20, v1;
	v19 =	vshrl.u32 v10, $0x10;
	v23 =	vand.u32 $0xFFFF, v10;
	v10 =	vld.idx.msk [tilespmem:v17+s10+$0x0], $0xffff  }
.Ltmp2:
0x3b: {  	v16 =	vshrl.u32 v11, $0x10;
	v20 =	vand.u32 $0xFFFF, v11;
	v11 =	vld.idx.msk [tilespmem:v12+s10+$0x0], $0xffff;
	(pc) =	sbr.rel @p0 .LBB2_6-.Ltmp2, $4  }
0x3c: {  	v12 =	vshrl.u32 v14, $0x10;
	v17 =	vand.u32 $0xFFFF, v14;
	v14 =	vld.idx.msk [tilespmem:v13+s10+$0x0], $0xffff  }
0x3d: {  	v13 =	vand.u32 $0xFFFF, v21;
	v15 =	vld.idx.msk [tilespmem:v9+s10+$0x0], $0xffff;
	v9 =	vshrl.u32 v21, $0x10  }
0x3e: {  	s16 =	sadd.s32 $0x80, s16;
	v18 =	vld.idx.msk [tilespmem:v4+s10+$0x0], $0xffff;
	v4 =	vmov v23  }
0x3f: {  	s19 =	sand.u32 $0x1F00, s16;
	s18 =	sand.u32 $0x40, s17;
	s17 =	sadd.s32 $0x40, s17;
	v3 =	vadd.f32 v22, v3;
	v19 =	vld.idx.msk [tilespmem:v19+s10+$0x0], $0xffff  }
0x40: {  	_ =	sdelay $0x3  }
0x41: {  	s16 =	sor.u32 s18, s19;
	v20 =	vld.idx.msk [tilespmem:v20+s10+$0x0], $0xffff  }
0x42: {  	v21 =	vld [tilespmem:s16+$0x30]  }
0x43: {  	v22 =	vld [tilespmem:s16+$0x0]  }
0x44: {  	v16 =	vld.idx.msk [tilespmem:v16+s10+$0x0], $0xffff  }
0x45: {  	v23 =	vld [tilespmem:s16+$0x10]  }
0x46: {  	v17 =	vld.idx.msk [tilespmem:v17+s10+$0x0], $0xffff  }
0x47: {  	v24 =	vld [tilespmem:s16+$0x20];
	v25 =	vshrl.u32 v21, $0x10  }
0x48: {  	v12 =	vld.idx.msk [tilespmem:v12+s10+$0x0], $0xffff;
	v26 =	vand.u32 $0xFFFF, v22  }
0x49: {  	v13 =	vld.idx.msk [tilespmem:v13+s10+$0x0], $0xffff;
	v22 =	vshrl.u32 v22, $0x10  }
0x4a: {  	v9 =	vld.idx.msk [tilespmem:v9+s10+$0x0], $0xffff;
	v27 =	vand.u32 $0xFFFF, v23  }
0x4b: {  	v4 =	vld.idx.msk [tilespmem:v4+s10+$0x0], $0xffff;
	v23 =	vshrl.u32 v23, $0x10  }
0x4c: {  	v28 =	vand.u32 $0xFFFF, v24;
	v25 =	vld.idx.msk [tilespmem:v25+s10+$0x0], $0xffff  }
0x4d: {  	v24 =	vshrl.u32 v24, $0x10;
	v26 =	vld.idx.msk [tilespmem:v26+s10+$0x0], $0xffff  }
0x4e: {  	v2 =	vadd.f32 v10, v2;
	v57 =	vand.u32 $0xFFFF, v21;
	v58 =	vld.idx.msk [tilespmem:v22+s10+$0x0], $0xffff  }
0x4f: {  	v5 =	vadd.f32 v11, v5;
	v8 =	vadd.f32 v14, v8;
	v59 =	vld.idx.msk [tilespmem:v27+s10+$0x0], $0xffff  }
0x50: {  	v6 =	vadd.f32 v15, v6;
	v7 =	vadd.f32 v18, v7;
	v60 =	vld.idx.msk [tilespmem:v23+s10+$0x0], $0xffff  }
0x51: {  	v0 =	vadd.f32 v19, v0;
	v1 =	vadd.f32 v20, v1;
	v61 =	vld.idx.msk [tilespmem:v28+s10+$0x0], $0xffff  }
0x52: {  	v3 =	vadd.f32 v16, v3;
	v2 =	vadd.f32 v17, v2;
	v62 =	vld.idx.msk [tilespmem:v24+s10+$0x0], $0xffff  }
0x53: {  	v12 =	vadd.f32 v12, v5;
	v8 =	vadd.f32 v13, v8;
	v10 =	vld.idx.msk [tilespmem:v57+s10+$0x0], $0xffff  }
0x54: {  	v9 =	vadd.f32 v9, v6;
	v63 =	vadd.f32 v4, v7  }
0x55: {  	v6 =	vadd.f32 v25, v0;
	v7 =	vadd.f32 v26, v1  }
0x56: {  	v4 =	vadd.f32 v58, v3;
	v5 =	vadd.f32 v59, v2  }
0x57: {  	s17 =	simm.s32 $0x10;
	v0 =	vadd.f32 v60, v12;
	v1 =	vadd.f32 v61, v8  }
0x58: {  	s19 =	sadd.s32 $0x0, s6;
	s18 =	simm.s32 $0x100;
	s16 =	simm.s32 $0x0;
	v2 =	vadd.f32 v62, v9;
	v3 =	vadd.f32 v10, v63  }
.LBB2_8:
0x59: {  	[tilespmem:s16], [sflag:$0x1] =	stream.linear.gather [hbm4b:s19+s2], $0x80, $0x38;
	[tilespmem:$0x2280] =	vst v63  }
0x5a: {  	s19 =	smov.u32 s17;
	s16 =	smov.u32 s18;
	p0 =	sne.s32 s17, $0x1F0  }
.Ltmp3:
0x5b: {  	s17 =	sadd.s32 $0x10, s17;
	(pc) =	sbr.rel @p0 .LBB2_8-.Ltmp3, $2  }
0x5c: {  	_ =	sdelay $0x2  }
0x5d: {  	s18 =	sadd.s32 $0x100, s18;
	s19 =	sadd.s32 s19, s6  }
0x5e: {  	[tilespmem:s16], [sflag:$0x1] =	stream.linear.gather [hbm4b:s19+s2], $0x80, $0x38;
	[tilespmem:$0x2280] =	vst v63  }
0x5f: {  	p0 =	por $0x0, $0x0;
	s16 =	simm.s32 $0x1  }
0x60: {  	s16 =	simm.s32 @!p0 $0x0  }
0x61: {  	_ =	swait.ge [sflag:s13], $0x1000;
	s16 =	sshll.u32 s16, $0x6  }
0x62: {  	[sflag:s13] =	ssyncset.done $0x0;
	s16 =	sadd.s32 $0x0, s16  }
0x63: {  	[sflag:s13] =	ssyncadd.s32 $0xFFFFF000;
	s18 =	sor.u32 $0x80, s16  }
0x64: {  	s17 =	sor.u32 $0xB0, s16;
	v8 =	vld [tilespmem:s18+$0x0]  }
0x65: {  	p0 =	por !p0, !p0;
	v9 =	vld [tilespmem:s17+$0x0];
	s17 =	simm.s32 $0x1  }
0x66: {  	s26 =	sor.u32 $0x90, s16;
	s17 =	simm.s32 @!p0 $0x0  }
0x67: {  	s16 =	sor.u32 $0xA0, s16;
	v12 =	vld [tilespmem:s26+$0x0];
	s28 =	sshll.u32 s17, $0x6  }
0x68: {  	v13 =	vld [tilespmem:s16+$0x0];
	s16 =	sadd.s32 $0x80, s28  }
0x69: {  	s29 =	sor.u32 $0xB0, s16;
	v11 =	vand.u32 $0xFFFF, v8  }
0x6a: {  	s30 =	sor.u32 $0x80, s16;
	v10 =	vshrl.u32 v9, $0x10;
	v15 =	vld [tilespmem:s29+$0x0]  }
0x6b: {  	s31 =	sor.u32 $0x90, s16;
	v8 =	vshrl.u32 v8, $0x10;
	v16 =	vld [tilespmem:s30+$0x0]  }
0x6c: {  	s16 =	sor.u32 $0xA0, s16;
	v14 =	vand.u32 $0xFFFF, v12;
	v19 =	vld [tilespmem:s31+$0x0]  }
0x6d: {  	v17 =	vand.u32 $0xFFFF, v13;
	v23 =	vld [tilespmem:s16+$0x0]  }
0x6e: {  	v12 =	vshrl.u32 v12, $0x10;
	v11 =	vld.idx.msk [tilespmem:v11+s10+$0x0], $0xffff  }
0x6f: {  	v22 =	vshrl.u32 v13, $0x10;
	v10 =	vld.idx.msk [tilespmem:v10+s10+$0x0], $0xffff  }
0x70: {  	v13 =	vand.u32 $0xFFFF, v9;
	v8 =	vld.idx.msk [tilespmem:v8+s10+$0x0], $0xffff  }
0x71: {  	v9 =	vld.idx.msk [tilespmem:v14+s10+$0x0], $0xffff;
	v20 =	vshrl.u32 v15, $0x10  }
0x72: {  	v18 =	vand.u32 $0xFFFF, v15;
	v15 =	vshrl.u32 v16, $0x10;
	v21 =	vand.u32 $0xFFFF, v16;
	v14 =	vld.idx.msk [tilespmem:v17+s10+$0x0], $0xffff  }
0x73: {  	s18 =	simm.s32 $0x1;
	p0 =	por !p0, !p0;
	v17 =	vand.u32 $0xFFFF, v19;
	v16 =	vand.u32 $0xFFFF, v23;
	v7 =	vadd.f32 v11, v7;
	v11 =	vld.idx.msk [tilespmem:v12+s10+$0x0], $0xffff  }
0x74: {  	s18 =	simm.s32 @!p0 $0x0;
	s17 =	simm.s32 $0xC0;
	s16 =	simm.s32 $0x80;
	v6 =	vadd.f32 v10, v6;
	v10 =	vshrl.u32 v19, $0x10;
	v12 =	vshrl.u32 v23, $0x10;
	v19 =	vld.idx.msk [tilespmem:v22+s10+$0x0], $0xffff  }
.LBB2_10:
0x75: {  	p1 =	sne.s32 s17, $0xFC0;
	s18 =	sshll.u32 s18, $0x6;
	s16 =	sadd.s32 $0x80, s16;
	v22 =	vld.idx.msk [tilespmem:v13+s10+$0x0], $0xffff;
	v13 =	vmov v18  }
0x76: {  	v4 =	vadd.f32 v8, v4;
	s18 =	sadd.s32 s18, s16;
	v18 =	vld.idx.msk [tilespmem:v20+s10+$0x0], $0xffff  }
0x77: {  	v5 =	vadd.f32 v9, v5;
	s19 =	sor.u32 $0x80, s18;
	s20 =	sor.u32 $0x90, s18;
	s21 =	sor.u32 $0xB0, s18;
	v21 =	vld.idx.msk [tilespmem:v21+s10+$0x0], $0xffff  }
0x78: {  	s18 =	sor.u32 $0xA0, s18;
	v0 =	vadd.f32 v11, v0;
	v9 =	vld [tilespmem:s21+$0x0]  }
0x79: {  	v1 =	vadd.f32 v14, v1;
	v11 =	vld [tilespmem:s19+$0x0]  }
0x7a: {  	v2 =	vadd.f32 v19, v2;
	v14 =	vld [tilespmem:s20+$0x0]  }
0x7b: {  	v3 =	vadd.f32 v22, v3;
	v23 =	vld [tilespmem:s18+$0x0]  }
.Ltmp4:
0x7c: {  	v6 =	vadd.f32 v18, v6;
	v8 =	vld.idx.msk [tilespmem:v15+s10+$0x0], $0xffff;
	(pc) =	sbr.rel @p1 .LBB2_10-.Ltmp4, $4  }
0x7d: {  	v7 =	vadd.f32 v21, v7;
	v20 =	vshrl.u32 v9, $0x10;
	v18 =	vand.u32 $0xFFFF, v9;
	v9 =	vld.idx.msk [tilespmem:v17+s10+$0x0], $0xffff  }
0x7e: {  	v15 =	vshrl.u32 v11, $0x10;
	v21 =	vand.u32 $0xFFFF, v11;
	v11 =	vld.idx.msk [tilespmem:v10+s10+$0x0], $0xffff  }
0x7f: {  	p0 =	por !p0, !p0;
	s18 =	simm.s32 $0x1;
	v10 =	vshrl.u32 v14, $0x10;
	v17 =	vand.u32 $0xFFFF, v14;
	v14 =	vld.idx.msk [tilespmem:v16+s10+$0x0], $0xffff  }
0x80: {  	s17 =	sadd.s32 $0x40, s17;
	s18 =	simm.s32 @!p0 $0x0;
	v16 =	vand.u32 $0xFFFF, v23;
	v19 =	vld.idx.msk [tilespmem:v12+s10+$0x0], $0xffff;
	v12 =	vshrl.u32 v23, $0x10  }
0x81: {  	_ =	sdelay $0x3  }
0x82: {  	s17 =	sshll.u32 s18, $0x6;
	s16 =	sadd.s32 $0x80, s16;
	v13 =	vld.idx.msk [tilespmem:v13+s10+$0x0], $0xffff  }
0x83: {  	v20 =	vld.idx.msk [tilespmem:v20+s10+$0x0], $0xffff;
	s16 =	sadd.s32 s17, s16  }
0x84: {  	v21 =	vld.idx.msk [tilespmem:v21+s10+$0x0], $0xffff;
	s17 =	sor.u32 $0xB0, s16  }
0x85: {  	s30 =	sor.u32 $0x80, s16;
	v22 =	vld [tilespmem:s17+$0x0]  }
0x86: {  	v23 =	vld [tilespmem:s30+$0x0]  }
0x87: {  	v15 =	vld.idx.msk [tilespmem:v15+s10+$0x0], $0xffff;
	s31 =	sor.u32 $0x90, s16  }
0x88: {  	v24 =	vld [tilespmem:s31+$0x0]  }
0x89: {  	v17 =	vld.idx.msk [tilespmem:v17+s10+$0x0], $0xffff;
	s16 =	sor.u32 $0xA0, s16  }
0x8a: {  	v25 =	vld [tilespmem:s16+$0x0];
	v26 =	vshrl.u32 v22, $0x10  }
0x8b: {  	v10 =	vld.idx.msk [tilespmem:v10+s10+$0x0], $0xffff;
	v27 =	vand.u32 $0xFFFF, v23  }
0x8c: {  	v16 =	vld.idx.msk [tilespmem:v16+s10+$0x0], $0xffff;
	v23 =	vshrl.u32 v23, $0x10  }
0x8d: {  	v12 =	vld.idx.msk [tilespmem:v12+s10+$0x0], $0xffff;
	v28 =	vand.u32 $0xFFFF, v24  }
0x8e: {  	v18 =	vld.idx.msk [tilespmem:v18+s10+$0x0], $0xffff;
	v24 =	vshrl.u32 v24, $0x10  }
0x8f: {  	v29 =	vand.u32 $0xFFFF, v25;
	v26 =	vld.idx.msk [tilespmem:v26+s10+$0x0], $0xffff  }
0x90: {  	v25 =	vshrl.u32 v25, $0x10;
	v27 =	vld.idx.msk [tilespmem:v27+s10+$0x0], $0xffff  }
0x91: {  	v4 =	vadd.f32 v8, v4;
	v5 =	vadd.f32 v9, v5;
	v8 =	vand.u32 $0xFFFF, v22;
	v57 =	vld.idx.msk [tilespmem:v23+s10+$0x0], $0xffff  }
0x92: {  	v0 =	vadd.f32 v11, v0;
	v1 =	vadd.f32 v14, v1;
	v58 =	vld.idx.msk [tilespmem:v28+s10+$0x0], $0xffff  }
0x93: {  	v2 =	vadd.f32 v19, v2;
	v3 =	vadd.f32 v13, v3;
	v59 =	vld.idx.msk [tilespmem:v24+s10+$0x0], $0xffff  }
0x94: {  	v6 =	vadd.f32 v20, v6;
	v7 =	vadd.f32 v21, v7;
	v60 =	vld.idx.msk [tilespmem:v29+s10+$0x0], $0xffff  }
0x95: {  	v4 =	vadd.f32 v15, v4;
	v61 =	vadd.f32 v17, v5;
	v62 =	vld.idx.msk [tilespmem:v25+s10+$0x0], $0xffff  }
0x96: {  	v0 =	vadd.f32 v10, v0;
	v1 =	vadd.f32 v16, v1;
	v8 =	vld.idx.msk [tilespmem:v8+s10+$0x0], $0xffff  }
0x97: {  	v2 =	vadd.f32 v12, v2;
	v63 =	vadd.f32 v18, v3  }
0x98: {  	v5 =	vadd.f32 v26, v6;
	v6 =	vadd.f32 v27, v7  }
0x99: {  	v7 =	vadd.f32 v57, v4;
	v3 =	vadd.f32 v58, v61  }
0x9a: {  	s19 =	sadd.s32 $0x0, s7;
	v4 =	vadd.f32 v59, v0;
	v1 =	vadd.f32 v60, v1  }
0x9b: {  	s18 =	simm.s32 $0x180;
	s16 =	simm.s32 $0x80;
	s17 =	simm.s32 $0x10;
	v2 =	vadd.f32 v62, v2;
	v0 =	vadd.f32 v8, v63  }
.LBB2_12:
0x9c: {  	[tilespmem:s16], [sflag:$0x2] =	stream.linear.gather [hbm4b:s19+s2], $0x80, $0x38;
	[tilespmem:$0x2280] =	vst v63  }
0x9d: {  	s19 =	smov.u32 s17;
	s16 =	smov.u32 s18;
	p0 =	sne.s32 s17, $0x1F0  }
.Ltmp5:
0x9e: {  	s17 =	sadd.s32 $0x10, s17;
	(pc) =	sbr.rel @p0 .LBB2_12-.Ltmp5, $2  }
0x9f: {  	_ =	sdelay $0x2  }
0xa0: {  	s18 =	sadd.s32 $0x100, s18;
	s19 =	sadd.s32 s19, s7  }
0xa1: {  	[tilespmem:s16], [sflag:$0x2] =	stream.linear.gather [hbm4b:s19+s2], $0x80, $0x38;
	[tilespmem:$0x2280] =	vst v63  }
0xa2: {  	s28 =	simm.s32 $0x0;
	_ =	swait.ge [sflag:s12], $0x1000  }
0xa3: {  	s17 =	sand.u32 $0x40, s28;
	s16 =	sand.u32 $0x1F00, s28;
	[sflag:s12] =	ssyncset.done $0x0  }
0xa4: {  	s16 =	sor.u32 s17, s16;
	[sflag:s12] =	ssyncadd.s32 $0xFFFFF000  }
0xa5: {  	v8 =	vld [tilespmem:s16+$0x30]  }
0xa6: {  	v9 =	vld [tilespmem:s16+$0x0];
	_ =	sdelay $0x3  }
0xa7: {  	s29 =	simm.s32 $0x40;
	s30 =	simm.s32 $0x80;
	v12 =	vld [tilespmem:s16+$0x10];
	v10 =	vshrl.u32 v8, $0x10  }
0xa8: {  	s17 =	sand.u32 $0x40, s29;
	v13 =	vld [tilespmem:s16+$0x20];
	s16 =	sand.u32 $0x1F00, s30;
	v11 =	vand.u32 $0xFFFF, v9  }
0xa9: {  	s16 =	sor.u32 s17, s16  }
0xaa: {  	v15 =	vld [tilespmem:s16+$0x30]  }
0xab: {  	v16 =	vld [tilespmem:s16+$0x0];
	v9 =	vshrl.u32 v9, $0x10  }
0xac: {  	v14 =	vld.idx.msk [tilespmem:v10+s10+$0x0], $0xffff;
	v10 =	vand.u32 $0xFFFF, v12  }
0xad: {  	v20 =	vshrl.u32 v13, $0x10;
	v11 =	vld.idx.msk [tilespmem:v11+s10+$0x0], $0xffff  }
0xae: {  	v19 =	vld [tilespmem:s16+$0x10];
	v12 =	vshrl.u32 v12, $0x10  }
0xaf: {  	v21 =	vld [tilespmem:s16+$0x20];
	v17 =	vand.u32 $0xFFFF, v13  }
0xb0: {  	v22 =	vand.u32 $0xFFFF, v8;
	v23 =	vld.idx.msk [tilespmem:v9+s10+$0x0], $0xffff  }
0xb1: {  	v24 =	vshrl.u32 v15, $0x10;
	v8 =	vld.idx.msk [tilespmem:v10+s10+$0x0], $0xffff  }
0xb2: {  	v6 =	vadd.f32 v11, v6;
	v11 =	vld.idx.msk [tilespmem:v20+s10+$0x0], $0xffff;
	v20 =	vand.u32 $0xFFFF, v16  }
0xb3: {  	v10 =	vld.idx.msk [tilespmem:v12+s10+$0x0], $0xffff  }
0xb4: {  	v13 =	vand.u32 $0xFFFF, v15;
	v18 =	vshrl.u32 v16, $0x10;
	v9 =	vld.idx.msk [tilespmem:v17+s10+$0x0], $0xffff  }
0xb5: {  	s31 =	simm.s32 $0x80;
	s16 =	simm.s32 $0x100;
	v15 =	vshrl.u32 v21, $0x10;
	v17 =	vand.u32 $0xFFFF, v21;
	v5 =	vadd.f32 v14, v5;
	v12 =	vld.idx.msk [tilespmem:v22+s10+$0x0], $0xffff  }
0xb6: {  	s18 =	sand.u32 $0x40, s31;
	s17 =	simm.s32 $0xC0;
	s19 =	sand.u32 $0x1F00, s16;
	v16 =	vshrl.u32 v19, $0x10;
	v19 =	vand.u32 $0xFFFF, v19;
	v14 =	vld.idx.msk [tilespmem:v24+s10+$0x0], $0xffff;
	v7 =	vadd.f32 v23, v7  }
.LBB2_14:
0xb7: {  	p0 =	sne.s32 s17, $0xFC0;
	s18 =	sor.u32 s18, s19;
	v20 =	vld.idx.msk [tilespmem:v20+s10+$0x0], $0xffff;
	v3 =	vadd.f32 v8, v3  }
0xb8: {  	v4 =	vadd.f32 v10, v4;
	v8 =	vld [tilespmem:s18+$0x30]  }
0xb9: {  	v1 =	vadd.f32 v9, v1;
	v10 =	vld [tilespmem:s18+$0x0]  }
0xba: {  	v2 =	vadd.f32 v11, v2;
	v9 =	vld [tilespmem:s18+$0x10]  }
0xbb: {  	v0 =	vadd.f32 v12, v0;
	v21 =	vld [tilespmem:s18+$0x20]  }
0xbc: {  	v5 =	vadd.f32 v14, v5;
	v22 =	vld.idx.msk [tilespmem:v18+s10+$0x0], $0xffff  }
0xbd: {  	v6 =	vadd.f32 v20, v6;
	v14 =	vshrl.u32 v8, $0x10;
	v23 =	vand.u32 $0xFFFF, v8;
	v8 =	vld.idx.msk [tilespmem:v19+s10+$0x0], $0xffff  }
.Ltmp6:
0xbe: {  	v18 =	vshrl.u32 v10, $0x10;
	v20 =	vand.u32 $0xFFFF, v10;
	v10 =	vld.idx.msk [tilespmem:v16+s10+$0x0], $0xffff;
	(pc) =	sbr.rel @p0 .LBB2_14-.Ltmp6, $4  }
0xbf: {  	v16 =	vshrl.u32 v9, $0x10;
	v19 =	vand.u32 $0xFFFF, v9;
	v9 =	vld.idx.msk [tilespmem:v17+s10+$0x0], $0xffff  }
0xc0: {  	v17 =	vand.u32 $0xFFFF, v21;
	v11 =	vld.idx.msk [tilespmem:v15+s10+$0x0], $0xffff;
	v15 =	vshrl.u32 v21, $0x10  }
0xc1: {  	s16 =	sadd.s32 $0x80, s16;
	v12 =	vld.idx.msk [tilespmem:v13+s10+$0x0], $0xffff;
	v13 =	vmov v23  }
0xc2: {  	s19 =	sand.u32 $0x1F00, s16;
	s18 =	sand.u32 $0x40, s17;
	s17 =	sadd.s32 $0x40, s17;
	v7 =	vadd.f32 v22, v7;
	v14 =	vld.idx.msk [tilespmem:v14+s10+$0x0], $0xffff  }
0xc3: {  	_ =	sdelay $0x3  }
0xc4: {  	s16 =	sor.u32 s18, s19;
	v20 =	vld.idx.msk [tilespmem:v20+s10+$0x0], $0xffff  }
0xc5: {  	v21 =	vld [tilespmem:s16+$0x30]  }
0xc6: {  	v22 =	vld [tilespmem:s16+$0x0]  }
0xc7: {  	v18 =	vld.idx.msk [tilespmem:v18+s10+$0x0], $0xffff  }
0xc8: {  	v23 =	vld [tilespmem:s16+$0x10]  }
0xc9: {  	v19 =	vld.idx.msk [tilespmem:v19+s10+$0x0], $0xffff  }
0xca: {  	v24 =	vld [tilespmem:s16+$0x20];
	v25 =	vshrl.u32 v21, $0x10  }
0xcb: {  	v16 =	vld.idx.msk [tilespmem:v16+s10+$0x0], $0xffff;
	v26 =	vand.u32 $0xFFFF, v22  }
0xcc: {  	v17 =	vld.idx.msk [tilespmem:v17+s10+$0x0], $0xffff;
	v22 =	vshrl.u32 v22, $0x10  }
0xcd: {  	v15 =	vld.idx.msk [tilespmem:v15+s10+$0x0], $0xffff;
	v27 =	vand.u32 $0xFFFF, v23  }
0xce: {  	v13 =	vld.idx.msk [tilespmem:v13+s10+$0x0], $0xffff;
	v23 =	vshrl.u32 v23, $0x10  }
0xcf: {  	v28 =	vand.u32 $0xFFFF, v24;
	v25 =	vld.idx.msk [tilespmem:v25+s10+$0x0], $0xffff  }
0xd0: {  	v24 =	vshrl.u32 v24, $0x10;
	v26 =	vld.idx.msk [tilespmem:v26+s10+$0x0], $0xffff  }
0xd1: {  	v21 =	vand.u32 $0xFFFF, v21;
	v22 =	vld.idx.msk [tilespmem:v22+s10+$0x0], $0xffff  }
0xd2: {  	v27 =	vld.idx.msk [tilespmem:v27+s10+$0x0], $0xffff  }
0xd3: {  	v23 =	vld.idx.msk [tilespmem:v23+s10+$0x0], $0xffff  }
0xd4: {  	p0 =	por $0x0, $0x0;
	s16 =	simm.s32 $0x1;
	v28 =	vld.idx.msk [tilespmem:v28+s10+$0x0], $0xffff  }
0xd5: {  	s16 =	simm.s32 @!p0 $0x0;
	v24 =	vld.idx.msk [tilespmem:v24+s10+$0x0], $0xffff  }
0xd6: {  	s16 =	sshll.u32 s16, $0x6;
	v21 =	vld.idx.msk [tilespmem:v21+s10+$0x0], $0xffff;
	_ =	swait.ge [sflag:s13], $0x1000  }
0xd7: {  	s16 =	sadd.s32 $0x0, s16;
	[sflag:s13] =	ssyncset.done $0x0  }
0xd8: {  	s17 =	sor.u32 $0xB0, s16;
	[sflag:s13] =	ssyncadd.s32 $0xFFFFF000  }
0xd9: {  	s25 =	sor.u32 $0x80, s16;
	v29 =	vld [tilespmem:s17+$0x0]  }
0xda: {  	v30 =	vld [tilespmem:s25+$0x0]  }
0xdb: {  	p0 =	por !p0, !p0;
	s17 =	simm.s32 $0x1  }
0xdc: {  	s26 =	sor.u32 $0x90, s16;
	s17 =	simm.s32 @!p0 $0x0  }
0xdd: {  	v3 =	vadd.f32 v8, v3;
	s16 =	sor.u32 $0xA0, s16;
	v8 =	vld [tilespmem:s26+$0x0];
	s28 =	sshll.u32 s17, $0x6  }
0xde: {  	v4 =	vadd.f32 v10, v4;
	v1 =	vadd.f32 v9, v1;
	v9 =	vld [tilespmem:s16+$0x0];
	s16 =	sadd.s32 $0x80, s28;
	v31 =	vshrl.u32 v29, $0x10  }
0xdf: {  	v2 =	vadd.f32 v11, v2;
	v0 =	vadd.f32 v12, v0;
	s29 =	sor.u32 $0xB0, s16;
	v32 =	vand.u32 $0xFFFF, v30  }
0xe0: {  	v5 =	vadd.f32 v14, v5;
	v4 =	vadd.f32 v16, v4;
	s30 =	sor.u32 $0x80, s16;
	v16 =	vld [tilespmem:s29+$0x0]  }
0xe1: {  	v6 =	vadd.f32 v20, v6;
	v7 =	vadd.f32 v18, v7;
	s31 =	sor.u32 $0x90, s16;
	s16 =	sor.u32 $0xA0, s16;
	v11 =	vshrl.u32 v30, $0x10;
	v61 =	vld [tilespmem:s30+$0x0]  }
0xe2: {  	v3 =	vadd.f32 v19, v3;
	v2 =	vadd.f32 v15, v2;
	v15 =	vand.u32 $0xFFFF, v8;
	v63 =	vld [tilespmem:s16+$0x0]  }
0xe3: {  	v14 =	vadd.f32 v17, v1;
	v13 =	vadd.f32 v13, v0;
	v19 =	vshrl.u32 v8, $0x10;
	v10 =	vld.idx.msk [tilespmem:v31+s10+$0x0], $0xffff  }
0xe4: {  	v17 =	vadd.f32 v25, v5;
	v0 =	vadd.f32 v22, v7;
	v22 =	vand.u32 $0xFFFF, v9;
	v12 =	vld.idx.msk [tilespmem:v32+s10+$0x0], $0xffff  }
0xe5: {  	v26 =	vadd.f32 v26, v6;
	v1 =	vadd.f32 v23, v4;
	v62 =	vld [tilespmem:s31+$0x0];
	v23 =	vshrl.u32 v9, $0x10  }
0xe6: {  	v3 =	vadd.f32 v27, v3;
	v5 =	vadd.f32 v21, v13;
	v13 =	vand.u32 $0xFFFF, v29;
	v8 =	vld.idx.msk [tilespmem:v11+s10+$0x0], $0xffff  }
0xe7: {  	v4 =	vadd.f32 v28, v14;
	v2 =	vadd.f32 v24, v2;
	v9 =	vld.idx.msk [tilespmem:v15+s10+$0x0], $0xffff;
	v20 =	vshrl.u32 v16, $0x10  }
0xe8: {  	v18 =	vand.u32 $0xFFFF, v16;
	v11 =	vld.idx.msk [tilespmem:v19+s10+$0x0], $0xffff;
	v15 =	vshrl.u32 v61, $0x10;
	v21 =	vand.u32 $0xFFFF, v61  }
0xe9: {  	s18 =	simm.s32 $0x1;
	p0 =	por !p0, !p0;
	v14 =	vld.idx.msk [tilespmem:v22+s10+$0x0], $0xffff;
	v16 =	vand.u32 $0xFFFF, v63;
	v6 =	vadd.f32 v10, v17;
	v7 =	vadd.f32 v12, v26  }
0xea: {  	s18 =	simm.s32 @!p0 $0x0;
	s17 =	simm.s32 $0xC0;
	s16 =	simm.s32 $0x80;
	v19 =	vld.idx.msk [tilespmem:v23+s10+$0x0], $0xffff;
	v10 =	vshrl.u32 v62, $0x10;
	v17 =	vand.u32 $0xFFFF, v62;
	v12 =	vshrl.u32 v63, $0x10  }
.LBB2_16:
0xeb: {  	p1 =	sne.s32 s17, $0xFC0;
	s18 =	sshll.u32 s18, $0x6;
	s16 =	sadd.s32 $0x80, s16;
	v22 =	vld.idx.msk [tilespmem:v13+s10+$0x0], $0xffff;
	v13 =	vmov v18  }
0xec: {  	v0 =	vadd.f32 v8, v0;
	s18 =	sadd.s32 s18, s16;
	v18 =	vld.idx.msk [tilespmem:v20+s10+$0x0], $0xffff  }
0xed: {  	v3 =	vadd.f32 v9, v3;
	s19 =	sor.u32 $0x80, s18;
	s20 =	sor.u32 $0x90, s18;
	s21 =	sor.u32 $0xB0, s18;
	v21 =	vld.idx.msk [tilespmem:v21+s10+$0x0], $0xffff  }
0xee: {  	s18 =	sor.u32 $0xA0, s18;
	v1 =	vadd.f32 v11, v1;
	v9 =	vld [tilespmem:s21+$0x0]  }
0xef: {  	v4 =	vadd.f32 v14, v4;
	v11 =	vld [tilespmem:s19+$0x0]  }
0xf0: {  	v2 =	vadd.f32 v19, v2;
	v14 =	vld [tilespmem:s20+$0x0]  }
0xf1: {  	v5 =	vadd.f32 v22, v5;
	v23 =	vld [tilespmem:s18+$0x0]  }
.Ltmp7:
0xf2: {  	v6 =	vadd.f32 v18, v6;
	v8 =	vld.idx.msk [tilespmem:v15+s10+$0x0], $0xffff;
	(pc) =	sbr.rel @p1 .LBB2_16-.Ltmp7, $4  }
0xf3: {  	v7 =	vadd.f32 v21, v7;
	v20 =	vshrl.u32 v9, $0x10;
	v18 =	vand.u32 $0xFFFF, v9;
	v9 =	vld.idx.msk [tilespmem:v17+s10+$0x0], $0xffff  }
0xf4: {  	v15 =	vshrl.u32 v11, $0x10;
	v21 =	vand.u32 $0xFFFF, v11;
	v11 =	vld.idx.msk [tilespmem:v10+s10+$0x0], $0xffff  }
0xf5: {  	p0 =	por !p0, !p0;
	s18 =	simm.s32 $0x1;
	v10 =	vshrl.u32 v14, $0x10;
	v17 =	vand.u32 $0xFFFF, v14;
	v14 =	vld.idx.msk [tilespmem:v16+s10+$0x0], $0xffff  }
0xf6: {  	s17 =	sadd.s32 $0x40, s17;
	s18 =	simm.s32 @!p0 $0x0;
	v16 =	vand.u32 $0xFFFF, v23;
	v19 =	vld.idx.msk [tilespmem:v12+s10+$0x0], $0xffff;
	v12 =	vshrl.u32 v23, $0x10  }
0xf7: {  	_ =	sdelay $0x3  }
0xf8: {  	s17 =	sshll.u32 s18, $0x6;
	s16 =	sadd.s32 $0x80, s16;
	v13 =	vld.idx.msk [tilespmem:v13+s10+$0x0], $0xffff  }
0xf9: {  	v20 =	vld.idx.msk [tilespmem:v20+s10+$0x0], $0xffff;
	s16 =	sadd.s32 s17, s16  }
0xfa: {  	v21 =	vld.idx.msk [tilespmem:v21+s10+$0x0], $0xffff;
	s17 =	sor.u32 $0xB0, s16  }
0xfb: {  	s30 =	sor.u32 $0x80, s16;
	v22 =	vld [tilespmem:s17+$0x0]  }
0xfc: {  	v23 =	vld [tilespmem:s30+$0x0]  }
0xfd: {  	v15 =	vld.idx.msk [tilespmem:v15+s10+$0x0], $0xffff;
	s31 =	sor.u32 $0x90, s16  }
0xfe: {  	v24 =	vld [tilespmem:s31+$0x0]  }
0xff: {  	v17 =	vld.idx.msk [tilespmem:v17+s10+$0x0], $0xffff;
	s16 =	sor.u32 $0xA0, s16  }
0x100: {  	v25 =	vld [tilespmem:s16+$0x0];
	v26 =	vshrl.u32 v22, $0x10  }
0x101: {  	v10 =	vld.idx.msk [tilespmem:v10+s10+$0x0], $0xffff;
	v27 =	vand.u32 $0xFFFF, v23  }
0x102: {  	v16 =	vld.idx.msk [tilespmem:v16+s10+$0x0], $0xffff;
	v23 =	vshrl.u32 v23, $0x10  }
0x103: {  	v12 =	vld.idx.msk [tilespmem:v12+s10+$0x0], $0xffff;
	v28 =	vand.u32 $0xFFFF, v24  }
0x104: {  	v18 =	vld.idx.msk [tilespmem:v18+s10+$0x0], $0xffff;
	v24 =	vshrl.u32 v24, $0x10  }
0x105: {  	v29 =	vand.u32 $0xFFFF, v25;
	v26 =	vld.idx.msk [tilespmem:v26+s10+$0x0], $0xffff  }
0x106: {  	v25 =	vshrl.u32 v25, $0x10;
	v27 =	vld.idx.msk [tilespmem:v27+s10+$0x0], $0xffff  }
0x107: {  	v0 =	vadd.f32 v8, v0;
	v3 =	vadd.f32 v9, v3;
	v56 =	vand.u32 $0xFFFF, v22;
	v57 =	vld.idx.msk [tilespmem:v23+s10+$0x0], $0xffff  }
0x108: {  	v1 =	vadd.f32 v11, v1;
	v4 =	vadd.f32 v14, v4;
	v58 =	vld.idx.msk [tilespmem:v28+s10+$0x0], $0xffff  }
0x109: {  	v2 =	vadd.f32 v19, v2;
	v5 =	vadd.f32 v13, v5;
	v59 =	vld.idx.msk [tilespmem:v24+s10+$0x0], $0xffff  }
0x10a: {  	v6 =	vadd.f32 v20, v6;
	v7 =	vadd.f32 v21, v7;
	v60 =	vld.idx.msk [tilespmem:v29+s10+$0x0], $0xffff  }
0x10b: {  	v0 =	vadd.f32 v15, v0;
	v3 =	vadd.f32 v17, v3;
	v61 =	vld.idx.msk [tilespmem:v25+s10+$0x0], $0xffff  }
0x10c: {  	v1 =	vadd.f32 v10, v1;
	v4 =	vadd.f32 v16, v4;
	v8 =	vld.idx.msk [tilespmem:v56+s10+$0x0], $0xffff  }
0x10d: {  	v2 =	vadd.f32 v12, v2;
	v5 =	vadd.f32 v18, v5  }
0x10e: {  	v6 =	vadd.f32 v26, v6;
	v7 =	vadd.f32 v27, v7  }
0x10f: {  	v0 =	vadd.f32 v57, v0;
	v3 =	vadd.f32 v58, v3  }
0x110: {  	v1 =	vadd.f32 v59, v1;
	v4 =	vadd.f32 v60, v4  }
0x111: {  	v2 =	vadd.f32 v61, v2;
	v5 =	vadd.f32 v8, v5  }
0x112: {  	v0 =	vadd.f32 v0, v7;
	v1 =	vadd.f32 v1, v3  }
0x113: {  	v2 =	vadd.f32 v2, v4;
	v62 =	vadd.f32 v6, v5;
	_ =	sdelay $0x1  }
0x114: {  	v0 =	vadd.f32 v1, v0;
	v63 =	vadd.f32 v62, v2;
	_ =	sdelay $0x1  }
0x115: {  	s15 =	sadd.s32 $0x1, s15;
	v0 =	vadd.f32 v63, v0  }
0x116: {  	p0 =	sne.s32 s15, s9  }
.Ltmp8:
0x117: {  	[tilespmem:$0x2200] =	vst v0;
	(pc) =	sbr.rel @p0 .LBB2_1-.Ltmp8, $4  }
0x118: {  	[hbm4b:s8+s2] =	stream.linear.scatter [tilespmem:s14], [sflag:$0x3], $0x10, $0x38;
	[tilespmem:$0x2280] =	vst v63  }
0x119: {  	_ =	swait.ge [sflag:s11], $0x10  }
0x11a: {  	[sflag:s11] =	ssyncset.done $0x0  }
0x11b: {  	[sflag:s11] =	ssyncadd.s32 $0xFFFFFFF0  }
0x11c: {  	_ =	sfence.sel $0x180000  }
0x11d: {  	[bflag:$0x0] =	sbarrier.arrive $0xFFFF  }
0x11e: {  	p0 =	sne.s32 s1, $0x0;
	_ =	strace $0x90000047  }
0x11f: {  	s0 =	sadd.s32 @!p0 $0x100000, s0;
	[bflag:$0x2] =	sbarrier.arrive $0xFFFF  }
0x120: {  	[sflag:s0] =	ssyncadd.tile.s32 @!p0 $0x1;
	_ =	shalt  }
.Lfunc_end2:
_tile_overlayer_lowered:
.L_overlay_start_2:
0x121: {  	(tag) =	ssettag $0x2  }
0x122: {  	s0 =	rddreg [dreg:$0x0];
	s2 =	stileid.u32  }
0x123: {  	s1 =	rddreg [dreg:$0x1];
	p0 =	sne.s32 s2, $0x0  }
0x124: {  	s3 =	rddreg [dreg:$0x2];
	[bflag:$0x3] =	sbarrier.arrive $0xFFFF;
	s2 =	simm.s32 @!p0 $0x1C03  }
0x125: {  	[timem:s3], [sflag:s2] =	dma.local @!p0 [hbm:s0], s1  }
0x126: {  	s0 =	simm.s32 @!p0 $0x3  }
0x127: {  	_ =	swait.ge @!p0 [sflag:s0], s1  }
0x128: {  	s1 =	ssub.s32 @!p0 $0x0, s1;
	[sflag:s0] =	ssyncset.done @!p0 $0x0  }
0x129: {  	[sflag:s0] =	ssyncadd.s32 @!p0 s1  }
0x12a: {  	[bflag:$0x3] =	sbarrier.arrive $0xFFFF  }
0x12b: {  	_ =	shalt  }

</sc_bundles>
